<compile_context>
chip_gen: v7x
topology: tpu7x:2x2x1
jax: 0.10.2.dev20260603
libtpu: 0.0.44.dev20260713+nightly
codegen_flags: <defaults>
</compile_context>

<pallas_src>
import functools

import jax
import jax.numpy as jnp
from jax import lax
from jax.experimental import pallas as pl
from jax.experimental.pallas import tpu as pltpu
from jax.experimental.pallas import tpu_sc as plsc

_F32 = jnp.float32
_DN_T = (((1,), (1,)), ((), ()))
_DN = (((1,), (0,)), ((), ()))


def _dot(x, w):
    return lax.dot_general(x, w, _DN_T, preferred_element_type=_F32)



def _fps_body(npoint, xyz_ref, out_ref, idx_ref):
    xyz = xyz_ref[...]
    b, _, n = xyz.shape
    lane = lax.broadcasted_iota(jnp.int32, (b, 1, n), 2)

    def step(i, state):
        distance, farthest = state
        sel = lane == farthest[:, :, None]
        centroid = jnp.sum(jnp.where(sel, xyz, 0.0), axis=2)
        out_ref[pl.ds(i, 1)] = centroid[None]
        idx_ref[pl.ds(i, 1)] = farthest[None]
        d = xyz - centroid[:, :, None]
        d = d * d
        dist = (d[:, 0, :] + d[:, 1, :]) + d[:, 2, :]
        distance = jnp.minimum(distance, dist)
        farthest = jnp.argmax(distance, axis=1).astype(jnp.int32)[:, None]
        return distance, farthest

    init = (jnp.full((b, n), 1e10, _F32), jnp.zeros((b, 1), jnp.int32))
    lax.fori_loop(0, npoint, step, init)


def _fps(xyz_t, npoint):
    b, _, n = xyz_t.shape
    out, idx = pl.pallas_call(
        functools.partial(_fps_body, npoint),
        out_shape=(jax.ShapeDtypeStruct((npoint, b, 3), _F32),
                   jax.ShapeDtypeStruct((npoint, b, 1), jnp.int32)),
    )(xyz_t)
    return jnp.transpose(out, (1, 0, 2)), jnp.transpose(idx, (1, 0, 2))[..., 0]



def _ballgroup_sc(xyz_t, feat_t, ctr, cidx, r2):
    b_tot, _, n = xyz_t.shape
    s_tot = ctr.shape[1]
    nw = 32
    halves = nw // b_tot
    cpw = s_tot // halves
    mesh = plsc.VectorSubcoreMesh(core_axis_name="c", subcore_axis_name="s")

    @functools.partial(
        pl.kernel, mesh=mesh,
        compiler_params=pltpu.CompilerParams(needs_layout_passes=False),
        out_type=jax.ShapeDtypeStruct((b_tot * s_tot * 64 * 6,), _F32),
        scratch_types=[
            pltpu.VMEM((n,), _F32), pltpu.VMEM((n,), _F32),
            pltpu.VMEM((n,), _F32), pltpu.VMEM((n,), _F32),
            pltpu.VMEM((n,), _F32), pltpu.VMEM((n,), _F32),
            pltpu.VMEM((cpw * 3 + 16,), _F32),
            pltpu.VMEM((cpw + 16,), jnp.int32),
            pltpu.VMEM((400,), _F32),
            pltpu.VMEM((16,), jnp.int32),
        ],
    )
    def grouped(xyz_hbm, feat_hbm, ctr_hbm, cidx_hbm, out_hbm,
                xs, ys, zs, fa, fb, fc, ctr_v, cidx_v, gbuf, runbuf):
        cid = lax.axis_index("c")
        sid = lax.axis_index("s")
        wid = sid * 2 + cid
        bi = wid // halves
        s0 = (wid % halves) * cpw
        pltpu.sync_copy(xyz_hbm.at[pl.ds((bi * 3 + 0) * n, n)], xs)
        pltpu.sync_copy(xyz_hbm.at[pl.ds((bi * 3 + 1) * n, n)], ys)
        pltpu.sync_copy(xyz_hbm.at[pl.ds((bi * 3 + 2) * n, n)], zs)
        pltpu.sync_copy(feat_hbm.at[pl.ds((bi * 3 + 0) * n, n)], fa)
        pltpu.sync_copy(feat_hbm.at[pl.ds((bi * 3 + 1) * n, n)], fb)
        pltpu.sync_copy(feat_hbm.at[pl.ds((bi * 3 + 2) * n, n)], fc)
        pltpu.sync_copy(ctr_hbm.at[pl.ds((bi * s_tot + s0) * 3, cpw * 3)],
                        ctr_v.at[pl.ds(0, cpw * 3)])
        pltpu.sync_copy(cidx_hbm.at[pl.ds(bi * s_tot + s0, cpw)],
                        cidx_v.at[pl.ds(0, cpw)])
        lane = lax.broadcasted_iota(jnp.int32, (16,), 0)
        zero = jnp.zeros((16,), _F32)

        def center_body(s, carry):
            idx0 = jnp.full((16,), s * 3, jnp.int32)
            cxv = plsc.load_gather(ctr_v, [idx0])
            cyv = plsc.load_gather(ctr_v, [idx0 + 1])
            czv = plsc.load_gather(ctr_v, [idx0 + 2])
            civ = plsc.load_gather(cidx_v, [jnp.full((16,), s, jnp.int32)])
            cfa = plsc.load_gather(fa, [civ])
            cfb = plsc.load_gather(fb, [civ])
            cfc = plsc.load_gather(fc, [civ])
            for t in range(4):
                base = (t * 16 + lane) * 6
                plsc.store_scatter(gbuf, [base], zero)
                plsc.store_scatter(gbuf, [base + 1], zero)
                plsc.store_scatter(gbuf, [base + 2], zero)
                plsc.store_scatter(gbuf, [base + 3], cfa)
                plsc.store_scatter(gbuf, [base + 4], cfb)
                plsc.store_scatter(gbuf, [base + 5], cfc)
            runbuf[...] = jnp.zeros((16,), jnp.int32)

            def chunk_body(c, carry2):
                xv = xs[pl.ds(c * 16, 16)]
                yv = ys[pl.ds(c * 16, 16)]
                zv = zs[pl.ds(c * 16, 16)]
                dx = xv - cxv
                dy = yv - cyv
                dz = zv - czv
                d2 = (dx * dx + dy * dy) + dz * dz
                m = d2 <= r2
                runv = runbuf[...]
                slot = runv + plsc.cumsum(m.astype(jnp.int32)) - 1
                base = jnp.where(m & (slot < 64), slot, 64) * 6
                plsc.store_scatter(gbuf, [base], dx)
                plsc.store_scatter(gbuf, [base + 1], dy)
                plsc.store_scatter(gbuf, [base + 2], dz)
                plsc.store_scatter(gbuf, [base + 3], fa[pl.ds(c * 16, 16)])
                plsc.store_scatter(gbuf, [base + 4], fb[pl.ds(c * 16, 16)])
                plsc.store_scatter(gbuf, [base + 5], fc[pl.ds(c * 16, 16)])
                runbuf[...] = runv + plsc.all_reduce_population_count(m)
                return carry2

            lax.fori_loop(0, n // 16, chunk_body, 0)
            pltpu.sync_copy(
                gbuf.at[pl.ds(0, 64 * 6)],
                out_hbm.at[pl.ds((bi * s_tot + s0 + s) * 64 * 6, 64 * 6)])
            return carry

        lax.fori_loop(0, cpw, center_body, 0)

    flat = grouped(xyz_t.reshape(-1), feat_t.reshape(-1), ctr.reshape(-1),
                   cidx.reshape(-1))
    return flat.reshape(b_tot, s_tot * 64, 6)


def _sa_mlp_body(sb, ns, nlayers, *refs):
    g_ref = refs[0]
    wrefs = refs[1:1 + 2 * nlayers]
    out_ref = refs[-1]
    h = g_ref[0]
    for li in range(nlayers):
        h = jnp.maximum(_dot(h, wrefs[2 * li][...]) + wrefs[2 * li + 1][...], 0.0)
    out_ref[0] = jnp.max(h.reshape(sb, ns, h.shape[1]), axis=1)


def _sa_mlp(grouped, s_tot, ws, bs, sb):
    b = grouped.shape[0]
    o_last = ws[-1].shape[0]
    in_specs = [pl.BlockSpec((1, sb * 64, 6), lambda i, j: (i, j, 0))]
    args = [grouped]
    for w, bias in zip(ws, bs):
        args += [w, bias.reshape(1, -1)]
        in_specs += [pl.BlockSpec(w.shape, lambda i, j: (0, 0)),
                     pl.BlockSpec((1, bias.shape[0]), lambda i, j: (0, 0))]
    return pl.pallas_call(
        functools.partial(_sa_mlp_body, sb, 64, len(ws)),
        grid=(b, s_tot // sb),
        in_specs=in_specs,
        out_specs=pl.BlockSpec((1, sb, o_last), lambda i, j: (i, j, 0)),
        out_shape=jax.ShapeDtypeStruct((b, s_tot, o_last), _F32),
    )(*args)



def _sa_body(r2, sb, ns, nlayers, *refs):
    pts_ref, xyzr_ref, feat_ref, ctr_ref = refs[:4]
    wrefs = refs[4:4 + 2 * nlayers]
    out_ref = refs[-1]
    pts = pts_ref[0]
    ctr = ctr_ref[0]
    n = pts.shape[1]
    d2 = None
    for c in range(3):
        diff = ctr[:, c:c + 1] - pts[c:c + 1, :]
        t = diff * diff
        d2 = t if d2 is None else d2 + t
    mask = d2 <= r2
    cnt = mask.astype(jnp.int32)
    s = 1
    while s < n:
        cnt = cnt + jnp.concatenate(
            [jnp.zeros((sb, s), jnp.int32), cnt[:, :n - s]], axis=1)
        s *= 2
    rank = jnp.where(mask, cnt - 1, -1)
    counts = cnt[:, n - 1:n]
    kio = lax.broadcasted_iota(jnp.int32, (sb, ns, n), 1)
    oh = (rank[:, None, :] == kio).astype(_F32)
    vals = jnp.concatenate([xyzr_ref[0], feat_ref[0]], axis=1)
    cdim = vals.shape[1]
    g = lax.dot_general(oh.reshape(sb * ns, n), vals, _DN,
                        preferred_element_type=_F32)
    g3 = g.reshape(sb, ns, cdim)
    valid = lax.broadcasted_iota(jnp.int32, (sb, ns, 1), 1) < counts[:, :, None]
    g3 = jnp.where(valid, g3, g3[:, 0:1, :])
    cpad = jnp.concatenate([ctr, jnp.zeros((sb, cdim - 3), _F32)], axis=1)
    h = (g3 - cpad[:, None, :]).reshape(sb * ns, cdim)
    for li in range(nlayers):
        h = jnp.maximum(_dot(h, wrefs[2 * li][...]) + wrefs[2 * li + 1][...], 0.0)
    out_ref[0] = jnp.max(h.reshape(sb, ns, h.shape[1]), axis=1)


def _sa(pts_t, xyz_r, feat_r, ctr, ws, bs, radius, sb):
    b, _, n = pts_t.shape
    s_tot = ctr.shape[1]
    cin = feat_r.shape[2]
    o_last = ws[-1].shape[0]
    in_specs = [
        pl.BlockSpec((1, 3, n), lambda i, j: (i, 0, 0)),
        pl.BlockSpec((1, n, 3), lambda i, j: (i, 0, 0)),
        pl.BlockSpec((1, n, cin), lambda i, j: (i, 0, 0)),
        pl.BlockSpec((1, sb, 3), lambda i, j: (i, j, 0)),
    ]
    args = [pts_t, xyz_r, feat_r, ctr]
    for w, bias in zip(ws, bs):
        args += [w, bias.reshape(1, -1)]
        in_specs += [pl.BlockSpec(w.shape, lambda i, j: (0, 0)),
                     pl.BlockSpec((1, bias.shape[0]), lambda i, j: (0, 0))]
    return pl.pallas_call(
        functools.partial(_sa_body, float(radius) ** 2, sb, 64, len(ws)),
        grid=(b, s_tot // sb),
        in_specs=in_specs,
        out_specs=pl.BlockSpec((1, sb, o_last), lambda i, j: (i, j, 0)),
        out_shape=jax.ShapeDtypeStruct((b, s_tot, o_last), _F32),
    )(*args)



def _gsa_fp1_body(p2_ref, f2_ref, w1p_ref, w1f_ref, b1_ref, w2_ref, b2_ref,
                  w3_ref, b3_ref, a1_ref, ai_ref, c1_ref, a2_ref, c2_ref,
                  out_ref):
    f2 = f2_ref[0]
    h = jnp.maximum(_dot(p2_ref[0], w1p_ref[...])
                    + _dot(f2, w1f_ref[...]) + b1_ref[...], 0.0)
    h = jnp.maximum(_dot(h, w2_ref[...]) + b2_ref[...], 0.0)
    h = jnp.maximum(_dot(h, w3_ref[...]) + b3_ref[...], 0.0)
    f3 = jnp.max(h, axis=0, keepdims=True)
    g = jnp.maximum(_dot(f2, a1_ref[...])
                    + _dot(f3, ai_ref[...]) + c1_ref[...], 0.0)
    g = jnp.maximum(_dot(g, a2_ref[...]) + c2_ref[...], 0.0)
    out_ref[0] = g


def _gsa_fp1(p2_r, f2, gsa_w, gsa_b, fp1_w, fp1_b):
    b = p2_r.shape[0]
    args = [p2_r, f2,
            gsa_w[0][:, :3], gsa_w[0][:, 3:], gsa_b[0].reshape(1, -1),
            gsa_w[1], gsa_b[1].reshape(1, -1),
            gsa_w[2], gsa_b[2].reshape(1, -1),
            fp1_w[0][:, :256], fp1_w[0][:, 256:], fp1_b[0].reshape(1, -1),
            fp1_w[1], fp1_b[1].reshape(1, -1)]
    in_specs = [pl.BlockSpec((1, 128, 3), lambda i: (i, 0, 0)),
                pl.BlockSpec((1, 128, 256), lambda i: (i, 0, 0))]
    in_specs += [pl.BlockSpec(a.shape, lambda i: (0, 0)) for a in args[2:]]
    return pl.pallas_call(
        _gsa_fp1_body,
        grid=(b,),
        in_specs=in_specs,
        out_specs=pl.BlockSpec((1, 128, 256), lambda i: (i, 0, 0)),
        out_shape=jax.ShapeDtypeStruct((b, 128, 256), _F32),
    )(*args)



def _interp3(tgt_r, src_t, src_feat):
    d = None
    for c in range(3):
        diff = tgt_r[:, c:c + 1] - src_t[c:c + 1, :]
        t = diff * diff
        d = t if d is None else d + t
    lio = lax.broadcasted_iota(jnp.int32, d.shape, 1)
    inf = jnp.float32(jnp.inf)
    i1 = jnp.argmin(d, axis=1).astype(jnp.int32)[:, None]
    m1 = jnp.min(d, axis=1)[:, None]
    d2 = jnp.where(lio == i1, inf, d)
    i2 = jnp.argmin(d2, axis=1).astype(jnp.int32)[:, None]
    m2 = jnp.min(d2, axis=1)[:, None]
    d3 = jnp.where(lio == i2, inf, d2)
    i3 = jnp.argmin(d3, axis=1).astype(jnp.int32)[:, None]
    m3 = jnp.min(d3, axis=1)[:, None]
    wa = 1.0 / (m1 + 1e-8)
    wb = 1.0 / (m2 + 1e-8)
    wc = 1.0 / (m3 + 1e-8)
    tot = (wa + wb) + wc
    a = (jnp.where(lio == i1, wa / tot, 0.0)
         + jnp.where(lio == i2, wb / tot, 0.0)
         + jnp.where(lio == i3, wc / tot, 0.0))
    return lax.dot_general(a, src_feat, _DN, preferred_element_type=_F32)


def _fp2_body(p1_ref, p2t_ref, f1_ref, f2p_ref, a1_ref, ai_ref, b1_ref,
              w2_ref, b2_ref, out_ref):
    interp = _interp3(p1_ref[0], p2t_ref[0], f2p_ref[0])
    h = jnp.maximum(_dot(f1_ref[0], a1_ref[...])
                    + _dot(interp, ai_ref[...]) + b1_ref[...], 0.0)
    h = jnp.maximum(_dot(h, w2_ref[...]) + b2_ref[...], 0.0)
    out_ref[0] = h


def _fp2(p1_r, p2_t, f1, f2p, fp2_w, fp2_b):
    b = p1_r.shape[0]
    args = [p1_r, p2_t, f1, f2p,
            fp2_w[0][:, :128], fp2_w[0][:, 128:], fp2_b[0].reshape(1, -1),
            fp2_w[1], fp2_b[1].reshape(1, -1)]
    in_specs = [pl.BlockSpec((1, 512, 3), lambda i: (i, 0, 0)),
                pl.BlockSpec((1, 3, 128), lambda i: (i, 0, 0)),
                pl.BlockSpec((1, 512, 128), lambda i: (i, 0, 0)),
                pl.BlockSpec((1, 128, 256), lambda i: (i, 0, 0))]
    in_specs += [pl.BlockSpec(a.shape, lambda i: (0, 0)) for a in args[4:]]
    return pl.pallas_call(
        _fp2_body,
        grid=(b,),
        in_specs=in_specs,
        out_specs=pl.BlockSpec((1, 512, 128), lambda i: (i, 0, 0)),
        out_shape=jax.ShapeDtypeStruct((b, 512, 128), _F32),
    )(*args)



def _fp3_body(ptsr_ref, featr_ref, oh_ref, p1t_ref, f1p_ref,
              w1o_ref, w1f_ref, w1p_ref, w1i_ref, b1_ref,
              w2_ref, b2_ref, w3_ref, b3_ref,
              c1_ref, cb1_ref, c2_ref, cb2_ref, out_ref):
    ptsr = ptsr_ref[0]
    interp = _interp3(ptsr, p1t_ref[0], f1p_ref[0])
    h = jnp.maximum(_dot(oh_ref[0], w1o_ref[...])
                    + _dot(featr_ref[0], w1f_ref[...])
                    + _dot(ptsr, w1p_ref[...])
                    + _dot(interp, w1i_ref[...]) + b1_ref[...], 0.0)
    h = jnp.maximum(_dot(h, w2_ref[...]) + b2_ref[...], 0.0)
    h = jnp.maximum(_dot(h, w3_ref[...]) + b3_ref[...], 0.0)
    h = jnp.maximum(_dot(h, c1_ref[...]) + cb1_ref[...], 0.0)
    out = lax.dot_general(c2_ref[...], h, _DN_T,
                          preferred_element_type=_F32)
    out_ref[0] = out + cb2_ref[...]


def _fp3_cls(pts_r, feat_r, oh, p1_t, f1p, fp3_w, fp3_b, cls_w, cls_b):
    b, n, _ = pts_r.shape
    w1 = fp3_w[0]
    args = [pts_r, feat_r, oh, p1_t, f1p,
            w1[:, :16], w1[:, 16:19], w1[:, 19:22], w1[:, 22:],
            fp3_b[0].reshape(1, -1),
            fp3_w[1], fp3_b[1].reshape(1, -1),
            fp3_w[2], fp3_b[2].reshape(1, -1),
            cls_w[0], cls_b[0].reshape(1, -1),
            cls_w[1], cls_b[1].reshape(-1, 1)]
    in_specs = [pl.BlockSpec((1, n, 3), lambda i: (i, 0, 0)),
                pl.BlockSpec((1, n, 3), lambda i: (i, 0, 0)),
                pl.BlockSpec((1, 1, 16), lambda i: (i, 0, 0)),
                pl.BlockSpec((1, 3, 512), lambda i: (i, 0, 0)),
                pl.BlockSpec((1, 512, 128), lambda i: (i, 0, 0))]
    in_specs += [pl.BlockSpec(a.shape, lambda i: (0, 0)) for a in args[5:]]
    return pl.pallas_call(
        _fp3_body,
        grid=(b,),
        in_specs=in_specs,
        out_specs=pl.BlockSpec((1, 50, n), lambda i: (i, 0, 0)),
        out_shape=jax.ShapeDtypeStruct((b, 50, n), _F32),
    )(*args)



def kernel(points, features, class_ids, params):
    p = params
    pts_r = jnp.transpose(points, (0, 2, 1))
    feat_r = jnp.transpose(features, (0, 2, 1))
    oh = jax.nn.one_hot(class_ids, 16, dtype=_F32)[:, None, :]

    ctr1, fidx1 = _fps(points, 512)
    grouped1 = _ballgroup_sc(points, features, ctr1, fidx1, float(0.2) ** 2)
    f1 = _sa_mlp(grouped1, 512, p['sa1_w'], p['sa1_b'], 16)
    p1_t = jnp.transpose(ctr1, (0, 2, 1))
    ctr2, _unused = _fps(p1_t, 128)
    f2 = _sa(p1_t, ctr1, f1, ctr2, p['sa2_w'], p['sa2_b'], 0.4, 16)
    f2p = _gsa_fp1(ctr2, f2, p['gsa_w'], p['gsa_b'], p['fp1_w'], p['fp1_b'])
    p2_t = jnp.transpose(ctr2, (0, 2, 1))
    f1p = _fp2(ctr1, p2_t, f1, f2p, p['fp2_w'], p['fp2_b'])
    return _fp3_cls(pts_r, feat_r, oh, p1_t, f1p,
                    p['fp3_w'], p['fp3_b'], p['cls_w'], p['cls_b'])

# --- scband reference (transcript-rebuilt; emitter-appended) ---
"""Pipeline reference for scband-point-net2-18889266167881 (READ-ONLY COPY).

The authoritative reference and input builder live on the scoring server;
editing this copy changes nothing except your own understanding.
"""

import jax, jax.numpy as jnp
import numpy as np

NUM_CLASS = 16
NUM_PART = 50

def index_points(pts, idx):
    B = pts.shape[0]
    bidx = jnp.arange(B).reshape((B,) + (1,) * (idx.ndim - 1))
    return pts[bidx, idx]

def square_distance(src, dst):
    return jnp.sum((src[:, :, None, :] - dst[:, None, :, :]) ** 2, axis=-1)

def farthest_point_sample(xyz, npoint):
    B, N, _ = xyz.shape
    def body(i, state):
        centroids, distance, farthest = state
        centroids = centroids.at[:, i].set(farthest)
        centroid = index_points(xyz, farthest[:, None])
        dist = jnp.sum((xyz - centroid) ** 2, axis=-1)
        distance = jnp.minimum(distance, dist)
        farthest = jnp.argmax(distance, axis=-1).astype(jnp.int32)
        return centroids, distance, farthest
    init = (jnp.zeros((B, npoint), jnp.int32), jnp.full((B, N), 1e10, jnp.float32), jnp.zeros((B,), jnp.int32))
    centroids, _, _ = jax.lax.fori_loop(0, npoint, body, init)
    return centroids

def ball_query(radius, nsample, xyz, new_xyz):
    B, S, _ = new_xyz.shape
    N = xyz.shape[1]
    sqr = square_distance(new_xyz, xyz)
    gidx = jnp.broadcast_to(jnp.arange(N, dtype=jnp.int32), (B, S, N))
    gidx = jnp.where(sqr > radius ** 2, N, gidx)
    gidx = jnp.sort(gidx, axis=-1)[:, :, :nsample]
    first = gidx[:, :, 0:1]
    gidx = jnp.where(gidx == N, jnp.broadcast_to(first, gidx.shape), gidx)
    return gidx

def sa_module(points_t, feat_t, npoint, nsample, radius, ws, bs):
    xyz = jnp.transpose(points_t, (0, 2, 1))
    feat = jnp.transpose(feat_t, (0, 2, 1))
    fps_idx = farthest_point_sample(jax.lax.stop_gradient(xyz), npoint)
    new_xyz = index_points(xyz, fps_idx)
    idx = ball_query(radius, nsample, jax.lax.stop_gradient(xyz), jax.lax.stop_gradient(new_xyz))
    grouped_xyz = index_points(xyz, idx) - new_xyz[:, :, None, :]
    grouped_feat = index_points(feat, idx)
    x = jnp.concatenate([grouped_xyz, grouped_feat], axis=-1)
    for w, b in zip(ws, bs):
        x = jax.nn.relu(jnp.einsum('bskc,oc->bsko', x, w) + b)
    x = jnp.max(x, axis=2)
    return jnp.transpose(new_xyz, (0, 2, 1)), jnp.transpose(x, (0, 2, 1))

def global_sa(points_t, feat_t, ws, bs):
    x = jnp.concatenate([points_t, feat_t], axis=1)
    x = jnp.transpose(x, (0, 2, 1))
    for w, b in zip(ws, bs):
        x = jax.nn.relu(jnp.einsum('bnc,oc->bno', x, w) + b)
    x = jnp.max(x, axis=1, keepdims=True)
    B = points_t.shape[0]
    return jnp.zeros((B, 3, 1), jnp.float32), jnp.transpose(x, (0, 2, 1))

def fp_module(xyz1_t, feat1_t, xyz2_t, feat2_t, ws, bs):
    xyz1 = jnp.transpose(xyz1_t, (0, 2, 1))
    xyz2 = jnp.transpose(xyz2_t, (0, 2, 1))
    feat2 = jnp.transpose(feat2_t, (0, 2, 1))
    B, N, _ = xyz1.shape
    S = xyz2.shape[1]
    if S == 1:
        interp = jnp.broadcast_to(feat2, (B, N, feat2.shape[-1]))
    else:
        d = square_distance(xyz1, xyz2)
        neg, idx = jax.lax.top_k(-d, 3)
        dist = -neg
        w = 1.0 / (dist + 1e-8)
        w = w / jnp.sum(w, axis=-1, keepdims=True)
        interp = jnp.sum(index_points(feat2, idx) * w[..., None], axis=2)
    feat1 = jnp.transpose(feat1_t, (0, 2, 1))
    x = jnp.concatenate([feat1, interp], axis=-1)
    for w_, b_ in zip(ws, bs):
        x = jax.nn.relu(jnp.einsum('bnc,oc->bno', x, w_) + b_)
    return jnp.transpose(x, (0, 2, 1))

def pointnet2_forward(points, features, class_ids, params):
    B, _, N = points.shape
    one_hot = jax.nn.one_hot(class_ids, NUM_CLASS, dtype=jnp.float32)
    p1, f1 = sa_module(points, features, 512, 64, 0.2, params['sa1_w'], params['sa1_b'])
    p2, f2 = sa_module(p1, f1, 128, 64, 0.4, params['sa2_w'], params['sa2_b'])
    p3, f3 = global_sa(p2, f2, params['gsa_w'], params['gsa_b'])
    f2 = fp_module(p2, f2, p3, f3, params['fp1_w'], params['fp1_b'])
    f1 = fp_module(p1, f1, p2, f2, params['fp2_w'], params['fp2_b'])
    oh = jnp.broadcast_to(one_hot[:, :, None], (B, NUM_CLASS, N))
    f0 = jnp.concatenate([oh, features, points], axis=1)
    f0 = fp_module(points, f0, p1, f1, params['fp3_w'], params['fp3_b'])
    x = jax.nn.relu(jnp.einsum('bcn,oc->bon', f0, params['cls_w'][0]) + params['cls_b'][0][None, :, None])
    out = jnp.einsum('bcn,oc->bon', x, params['cls_w'][1]) + params['cls_b'][1][None, :, None]
    return out

def make_mlp(key, dims, scale=0.05):
    ws, bs = [], []
    for i in range(len(dims) - 1):
        key, k = jax.random.split(key)
        ws.append(jax.random.normal(k, (dims[i + 1], dims[i]), dtype=jnp.float32) * scale)
        bs.append(jnp.zeros((dims[i + 1],), jnp.float32))
    return key, ws, bs

def setup_inputs(seed: int = 0):
    key = jax.random.key(seed)
    k1, k2, k3, kp = jax.random.split(key, 4)
    points = jax.random.normal(k1, (16, 3, 2048), dtype=jnp.float32)
    features = jax.random.normal(k2, (16, 3, 2048), dtype=jnp.float32)
    class_ids = jax.random.randint(k3, (16,), 0, NUM_CLASS)
    specs = {'sa1': [6, 64, 64, 128], 'sa2': [131, 128, 128, 256], 'gsa': [259, 256, 512, 1024], 'fp1': [1280, 256, 256], 'fp2': [384, 256, 128], 'fp3': [150, 128, 128, 128], 'cls': [128, 128, NUM_PART]}
    params = {}
    for name, dims in specs.items():
        kp, ws, bs = make_mlp(kp, dims)
        params[name + '_w'] = ws
        params[name + '_b'] = bs
    return {'points': points, 'features': features, 'class_ids': class_ids, 'params': params}

def reference(points, features, class_ids, params):
    return pointnet2_forward(points, features, class_ids, params)

if __name__ == "__main__":
    import jax
    _d = setup_inputs()
    print(jax.jit(kernel)(*tuple(_d.values())))

</pallas_src>

<mosaic_0001>
#map = affine_map<(d0, d1) -> (0)>
module attributes {stable_mosaic.version = 14 : i64} {
  func.func @grouped(%arg0: i32, %arg1: i32, %arg2: memref<98304xf32, #tpu.memory_space<hbm>>, %arg3: memref<98304xf32, #tpu.memory_space<hbm>>, %arg4: memref<24576xf32, #tpu.memory_space<hbm>>, %arg5: memref<8192xi32, #tpu.memory_space<hbm>>, %arg6: memref<3145728xf32, #tpu.memory_space<hbm>>, %arg7: memref<2048xf32, #tpu.memory_space<vmem>>, %arg8: memref<2048xf32, #tpu.memory_space<vmem>>, %arg9: memref<2048xf32, #tpu.memory_space<vmem>>, %arg10: memref<2048xf32, #tpu.memory_space<vmem>>, %arg11: memref<2048xf32, #tpu.memory_space<vmem>>, %arg12: memref<2048xf32, #tpu.memory_space<vmem>>, %arg13: memref<784xf32, #tpu.memory_space<vmem>>, %arg14: memref<272xi32, #tpu.memory_space<vmem>>, %arg15: memref<400xf32, #tpu.memory_space<vmem>>, %arg16: memref<16xi32, #tpu.memory_space<vmem>>) attributes {dimension_semantics = [#tpu.dimension_semantics<core_parallel>, #tpu.dimension_semantics<subcore_parallel>], iteration_bounds = array<i64: 2, 16>, scalar_prefetch = 0 : i64, scratch_operands = 10 : i64, tpu.core_type = #tpu.core_type<sc_vector_subcore>, window_params = [{transform_indices = #map}, {transform_indices = #map}, {transform_indices = #map}, {transform_indices = #map}, {transform_indices = #map}]} {
    %mul3A = arith.constant 2 : i32
    %mul3A_0 = arith.muli %arg1, %mul3A : i32
    %add3A = arith.addi %mul3A_0, %arg0 : i32
    %jit3A = arith.constant 2 : i32
    %div3A = arith.divsi %add3A, %jit3A : i32
    %sign3A = arith.constant 0 : i32
    %sign3A_1 = arith.cmpi sgt, %add3A, %sign3A : i32
    %sign3A_2 = arith.extui %sign3A_1 : i1 to i32
    %sign3A_3 = arith.constant 0 : i32
    %sign3A_4 = arith.cmpi slt, %add3A, %sign3A_3 : i32
    %sign3A_5 = arith.extui %sign3A_4 : i1 to i32
    %sign3A_6 = arith.subi %sign3A_2, %sign3A_5 : i32
    %sign3A_7 = arith.constant 0 : i32
    %sign3A_8 = arith.cmpi sgt, %jit3A, %sign3A_7 : i32
    %sign3A_9 = arith.extui %sign3A_8 : i1 to i32
    %sign3A_10 = arith.constant 0 : i32
    %sign3A_11 = arith.cmpi slt, %jit3A, %sign3A_10 : i32
    %sign3A_12 = arith.extui %sign3A_11 : i1 to i32
    %sign3A_13 = arith.subi %sign3A_9, %sign3A_12 : i32
    %ne3A = arith.cmpi ne, %sign3A_6, %sign3A_13 : i32
    %rem3A = arith.remsi %add3A, %jit3A : i32
    %ne3A_14 = arith.constant 0 : i32
    %ne3A_15 = arith.cmpi ne, %rem3A, %ne3A_14 : i32
    %and3A = arith.andi %ne3A, %ne3A_15 : i1
    %sub3A = arith.constant 1 : i32
    %sub3A_16 = arith.subi %div3A, %sub3A : i32
    %select_n3A = arith.select %and3A, %sub3A_16, %div3A : i32
    %jit3A_17 = arith.constant 2 : i32
    %eq3A = arith.constant 0 : i32
    %eq3A_18 = arith.cmpi eq, %jit3A_17, %eq3A : i32
    %jit3A_19 = arith.constant 1 : i32
    %select_n3A_20 = arith.select %eq3A_18, %jit3A_19, %jit3A_17 : i32
    %rem3A_21 = arith.remsi %add3A, %select_n3A_20 : i32
    %ne3A_22 = arith.constant 0 : i32
    %ne3A_23 = arith.cmpi ne, %rem3A_21, %ne3A_22 : i32
    %lt3A = arith.constant 0 : i32
    %lt3A_24 = arith.cmpi slt, %rem3A_21, %lt3A : i32
    %lt3A_25 = arith.constant 0 : i32
    %lt3A_26 = arith.cmpi slt, %select_n3A_20, %lt3A_25 : i32
    %ne3A_27 = arith.xori %lt3A_24, %lt3A_26 : i1
    %and3A_28 = arith.andi %ne3A_27, %ne3A_23 : i1
    %add3A_29 = arith.addi %rem3A_21, %select_n3A_20 : i32
    %select_n3A_30 = arith.select %and3A_28, %add3A_29, %rem3A_21 : i32
    %mul3A_31 = arith.constant 256 : i32
    %mul3A_32 = arith.muli %select_n3A_30, %mul3A_31 : i32
    %mul3A_33 = arith.constant 3 : i32
    %mul3A_34 = arith.muli %select_n3A, %mul3A_33 : i32
    %add3A_35 = arith.constant 0 : i32
    %add3A_36 = arith.addi %mul3A_34, %add3A_35 : i32
    %mul3A_37 = arith.constant 2048 : i32
    %mul3A_38 = arith.muli %add3A_36, %mul3A_37 : i32
    "tpu.region"() ({
      %run_scoped3A = tpu.sem_alloc : memref<!tpu.dma_semaphore, #tpu.memory_space<semaphore_mem>>
      %dma_start3A = tpu.memref_slice %arg2[%mul3A_38] : memref<98304xf32, #tpu.memory_space<hbm>> -> memref<2048xf32, #tpu.memory_space<hbm>>
      %dma_start3A_83 = tpu.memref_slice %arg2[%mul3A_38] : memref<98304xf32, #tpu.memory_space<hbm>> -> memref<2048xf32, #tpu.memory_space<hbm>>
      tpu.enqueue_dma source(%dma_start3A_83 : memref<2048xf32, #tpu.memory_space<hbm>>) target(%arg7 : memref<2048xf32, #tpu.memory_space<vmem>>) target_semaphore(%run_scoped3A : memref<!tpu.dma_semaphore, #tpu.memory_space<semaphore_mem>>)
      %dma_wait3A = tpu.memref_slice %arg2[%mul3A_38] : memref<98304xf32, #tpu.memory_space<hbm>> -> memref<2048xf32, #tpu.memory_space<hbm>>
      %dma_wait3A_84 = tpu.memref_slice %arg2[%mul3A_38] : memref<98304xf32, #tpu.memory_space<hbm>> -> memref<2048xf32, #tpu.memory_space<hbm>>
      tpu.wait_dma2 semaphore(%run_scoped3A : memref<!tpu.dma_semaphore, #tpu.memory_space<semaphore_mem>>) src(%dma_wait3A_84 : memref<2048xf32, #tpu.memory_space<hbm>>) dst(%arg7 : memref<2048xf32, #tpu.memory_space<vmem>>)
      tpu.yield
    }) : () -> ()
    %mul3A_39 = arith.constant 3 : i32
    %mul3A_40 = arith.muli %select_n3A, %mul3A_39 : i32
    %add3A_41 = arith.constant 1 : i32
    %add3A_42 = arith.addi %mul3A_40, %add3A_41 : i32
    %mul3A_43 = arith.constant 2048 : i32
    %mul3A_44 = arith.muli %add3A_42, %mul3A_43 : i32
    "tpu.region"() ({
      %run_scoped3A = tpu.sem_alloc : memref<!tpu.dma_semaphore, #tpu.memory_space<semaphore_mem>>
      %dma_start3A = tpu.memref_slice %arg2[%mul3A_44] : memref<98304xf32, #tpu.memory_space<hbm>> -> memref<2048xf32, #tpu.memory_space<hbm>>
      %dma_start3A_83 = tpu.memref_slice %arg2[%mul3A_44] : memref<98304xf32, #tpu.memory_space<hbm>> -> memref<2048xf32, #tpu.memory_space<hbm>>
      tpu.enqueue_dma source(%dma_start3A_83 : memref<2048xf32, #tpu.memory_space<hbm>>) target(%arg8 : memref<2048xf32, #tpu.memory_space<vmem>>) target_semaphore(%run_scoped3A : memref<!tpu.dma_semaphore, #tpu.memory_space<semaphore_mem>>)
      %dma_wait3A = tpu.memref_slice %arg2[%mul3A_44] : memref<98304xf32, #tpu.memory_space<hbm>> -> memref<2048xf32, #tpu.memory_space<hbm>>
      %dma_wait3A_84 = tpu.memref_slice %arg2[%mul3A_44] : memref<98304xf32, #tpu.memory_space<hbm>> -> memref<2048xf32, #tpu.memory_space<hbm>>
      tpu.wait_dma2 semaphore(%run_scoped3A : memref<!tpu.dma_semaphore, #tpu.memory_space<semaphore_mem>>) src(%dma_wait3A_84 : memref<2048xf32, #tpu.memory_space<hbm>>) dst(%arg8 : memref<2048xf32, #tpu.memory_space<vmem>>)
      tpu.yield
    }) : () -> ()
    %mul3A_45 = arith.constant 3 : i32
    %mul3A_46 = arith.muli %select_n3A, %mul3A_45 : i32
    %add3A_47 = arith.constant 2 : i32
    %add3A_48 = arith.addi %mul3A_46, %add3A_47 : i32
    %mul3A_49 = arith.constant 2048 : i32
    %mul3A_50 = arith.muli %add3A_48, %mul3A_49 : i32
    "tpu.region"() ({
      %run_scoped3A = tpu.sem_alloc : memref<!tpu.dma_semaphore, #tpu.memory_space<semaphore_mem>>
      %dma_start3A = tpu.memref_slice %arg2[%mul3A_50] : memref<98304xf32, #tpu.memory_space<hbm>> -> memref<2048xf32, #tpu.memory_space<hbm>>
      %dma_start3A_83 = tpu.memref_slice %arg2[%mul3A_50] : memref<98304xf32, #tpu.memory_space<hbm>> -> memref<2048xf32, #tpu.memory_space<hbm>>
      tpu.enqueue_dma source(%dma_start3A_83 : memref<2048xf32, #tpu.memory_space<hbm>>) target(%arg9 : memref<2048xf32, #tpu.memory_space<vmem>>) target_semaphore(%run_scoped3A : memref<!tpu.dma_semaphore, #tpu.memory_space<semaphore_mem>>)
      %dma_wait3A = tpu.memref_slice %arg2[%mul3A_50] : memref<98304xf32, #tpu.memory_space<hbm>> -> memref<2048xf32, #tpu.memory_space<hbm>>
      %dma_wait3A_84 = tpu.memref_slice %arg2[%mul3A_50] : memref<98304xf32, #tpu.memory_space<hbm>> -> memref<2048xf32, #tpu.memory_space<hbm>>
      tpu.wait_dma2 semaphore(%run_scoped3A : memref<!tpu.dma_semaphore, #tpu.memory_space<semaphore_mem>>) src(%dma_wait3A_84 : memref<2048xf32, #tpu.memory_space<hbm>>) dst(%arg9 : memref<2048xf32, #tpu.memory_space<vmem>>)
      tpu.yield
    }) : () -> ()
    %mul3A_51 = arith.constant 3 : i32
    %mul3A_52 = arith.muli %select_n3A, %mul3A_51 : i32
    %add3A_53 = arith.constant 0 : i32
    %add3A_54 = arith.addi %mul3A_52, %add3A_53 : i32
    %mul3A_55 = arith.constant 2048 : i32
    %mul3A_56 = arith.muli %add3A_54, %mul3A_55 : i32
    "tpu.region"() ({
      %run_scoped3A = tpu.sem_alloc : memref<!tpu.dma_semaphore, #tpu.memory_space<semaphore_mem>>
      %dma_start3A = tpu.memref_slice %arg3[%mul3A_56] : memref<98304xf32, #tpu.memory_space<hbm>> -> memref<2048xf32, #tpu.memory_space<hbm>>
      %dma_start3A_83 = tpu.memref_slice %arg3[%mul3A_56] : memref<98304xf32, #tpu.memory_space<hbm>> -> memref<2048xf32, #tpu.memory_space<hbm>>
      tpu.enqueue_dma source(%dma_start3A_83 : memref<2048xf32, #tpu.memory_space<hbm>>) target(%arg10 : memref<2048xf32, #tpu.memory_space<vmem>>) target_semaphore(%run_scoped3A : memref<!tpu.dma_semaphore, #tpu.memory_space<semaphore_mem>>)
      %dma_wait3A = tpu.memref_slice %arg3[%mul3A_56] : memref<98304xf32, #tpu.memory_space<hbm>> -> memref<2048xf32, #tpu.memory_space<hbm>>
      %dma_wait3A_84 = tpu.memref_slice %arg3[%mul3A_56] : memref<98304xf32, #tpu.memory_space<hbm>> -> memref<2048xf32, #tpu.memory_space<hbm>>
      tpu.wait_dma2 semaphore(%run_scoped3A : memref<!tpu.dma_semaphore, #tpu.memory_space<semaphore_mem>>) src(%dma_wait3A_84 : memref<2048xf32, #tpu.memory_space<hbm>>) dst(%arg10 : memref<2048xf32, #tpu.memory_space<vmem>>)
      tpu.yield
    }) : () -> ()
    %mul3A_57 = arith.constant 3 : i32
    %mul3A_58 = arith.muli %select_n3A, %mul3A_57 : i32
    %add3A_59 = arith.constant 1 : i32
    %add3A_60 = arith.addi %mul3A_58, %add3A_59 : i32
    %mul3A_61 = arith.constant 2048 : i32
    %mul3A_62 = arith.muli %add3A_60, %mul3A_61 : i32
    "tpu.region"() ({
      %run_scoped3A = tpu.sem_alloc : memref<!tpu.dma_semaphore, #tpu.memory_space<semaphore_mem>>
      %dma_start3A = tpu.memref_slice %arg3[%mul3A_62] : memref<98304xf32, #tpu.memory_space<hbm>> -> memref<2048xf32, #tpu.memory_space<hbm>>
      %dma_start3A_83 = tpu.memref_slice %arg3[%mul3A_62] : memref<98304xf32, #tpu.memory_space<hbm>> -> memref<2048xf32, #tpu.memory_space<hbm>>
      tpu.enqueue_dma source(%dma_start3A_83 : memref<2048xf32, #tpu.memory_space<hbm>>) target(%arg11 : memref<2048xf32, #tpu.memory_space<vmem>>) target_semaphore(%run_scoped3A : memref<!tpu.dma_semaphore, #tpu.memory_space<semaphore_mem>>)
      %dma_wait3A = tpu.memref_slice %arg3[%mul3A_62] : memref<98304xf32, #tpu.memory_space<hbm>> -> memref<2048xf32, #tpu.memory_space<hbm>>
      %dma_wait3A_84 = tpu.memref_slice %arg3[%mul3A_62] : memref<98304xf32, #tpu.memory_space<hbm>> -> memref<2048xf32, #tpu.memory_space<hbm>>
      tpu.wait_dma2 semaphore(%run_scoped3A : memref<!tpu.dma_semaphore, #tpu.memory_space<semaphore_mem>>) src(%dma_wait3A_84 : memref<2048xf32, #tpu.memory_space<hbm>>) dst(%arg11 : memref<2048xf32, #tpu.memory_space<vmem>>)
      tpu.yield
    }) : () -> ()
    %mul3A_63 = arith.constant 3 : i32
    %mul3A_64 = arith.muli %select_n3A, %mul3A_63 : i32
    %add3A_65 = arith.constant 2 : i32
    %add3A_66 = arith.addi %mul3A_64, %add3A_65 : i32
    %mul3A_67 = arith.constant 2048 : i32
    %mul3A_68 = arith.muli %add3A_66, %mul3A_67 : i32
    "tpu.region"() ({
      %run_scoped3A = tpu.sem_alloc : memref<!tpu.dma_semaphore, #tpu.memory_space<semaphore_mem>>
      %dma_start3A = tpu.memref_slice %arg3[%mul3A_68] : memref<98304xf32, #tpu.memory_space<hbm>> -> memref<2048xf32, #tpu.memory_space<hbm>>
      %dma_start3A_83 = tpu.memref_slice %arg3[%mul3A_68] : memref<98304xf32, #tpu.memory_space<hbm>> -> memref<2048xf32, #tpu.memory_space<hbm>>
      tpu.enqueue_dma source(%dma_start3A_83 : memref<2048xf32, #tpu.memory_space<hbm>>) target(%arg12 : memref<2048xf32, #tpu.memory_space<vmem>>) target_semaphore(%run_scoped3A : memref<!tpu.dma_semaphore, #tpu.memory_space<semaphore_mem>>)
      %dma_wait3A = tpu.memref_slice %arg3[%mul3A_68] : memref<98304xf32, #tpu.memory_space<hbm>> -> memref<2048xf32, #tpu.memory_space<hbm>>
      %dma_wait3A_84 = tpu.memref_slice %arg3[%mul3A_68] : memref<98304xf32, #tpu.memory_space<hbm>> -> memref<2048xf32, #tpu.memory_space<hbm>>
      tpu.wait_dma2 semaphore(%run_scoped3A : memref<!tpu.dma_semaphore, #tpu.memory_space<semaphore_mem>>) src(%dma_wait3A_84 : memref<2048xf32, #tpu.memory_space<hbm>>) dst(%arg12 : memref<2048xf32, #tpu.memory_space<vmem>>)
      tpu.yield
    }) : () -> ()
    %mul3A_69 = arith.constant 512 : i32
    %mul3A_70 = arith.muli %select_n3A, %mul3A_69 : i32
    %add3A_71 = arith.addi %mul3A_70, %mul3A_32 : i32
    %mul3A_72 = arith.constant 3 : i32
    %mul3A_73 = arith.muli %add3A_71, %mul3A_72 : i32
    "tpu.region"() ({
      %run_scoped3A = tpu.sem_alloc : memref<!tpu.dma_semaphore, #tpu.memory_space<semaphore_mem>>
      %dma_start3A = arith.constant 0 : i32
      %dma_start3A_83 = tpu.memref_slice %arg13[%dma_start3A] : memref<784xf32, #tpu.memory_space<vmem>> -> memref<768xf32, #tpu.memory_space<vmem>>
      %dma_start3A_84 = tpu.memref_slice %arg4[%mul3A_73] : memref<24576xf32, #tpu.memory_space<hbm>> -> memref<768xf32, #tpu.memory_space<hbm>>
      %dma_start3A_85 = arith.constant 0 : i32
      %dma_start3A_86 = tpu.memref_slice %arg13[%dma_start3A_85] : memref<784xf32, #tpu.memory_space<vmem>> -> memref<768xf32, #tpu.memory_space<vmem>>
      %dma_start3A_87 = tpu.memref_slice %arg4[%mul3A_73] : memref<24576xf32, #tpu.memory_space<hbm>> -> memref<768xf32, #tpu.memory_space<hbm>>
      tpu.enqueue_dma source(%dma_start3A_87 : memref<768xf32, #tpu.memory_space<hbm>>) target(%dma_start3A_86 : memref<768xf32, #tpu.memory_space<vmem>>) target_semaphore(%run_scoped3A : memref<!tpu.dma_semaphore, #tpu.memory_space<semaphore_mem>>)
      %dma_wait3A = arith.constant 0 : i32
      %dma_wait3A_88 = tpu.memref_slice %arg13[%dma_wait3A] : memref<784xf32, #tpu.memory_space<vmem>> -> memref<768xf32, #tpu.memory_space<vmem>>
      %dma_wait3A_89 = tpu.memref_slice %arg4[%mul3A_73] : memref<24576xf32, #tpu.memory_space<hbm>> -> memref<768xf32, #tpu.memory_space<hbm>>
      %dma_wait3A_90 = arith.constant 0 : i32
      %dma_wait3A_91 = tpu.memref_slice %arg13[%dma_wait3A_90] : memref<784xf32, #tpu.memory_space<vmem>> -> memref<768xf32, #tpu.memory_space<vmem>>
      %dma_wait3A_92 = tpu.memref_slice %arg4[%mul3A_73] : memref<24576xf32, #tpu.memory_space<hbm>> -> memref<768xf32, #tpu.memory_space<hbm>>
      tpu.wait_dma2 semaphore(%run_scoped3A : memref<!tpu.dma_semaphore, #tpu.memory_space<semaphore_mem>>) src(%dma_wait3A_92 : memref<768xf32, #tpu.memory_space<hbm>>) dst(%dma_wait3A_91 : memref<768xf32, #tpu.memory_space<vmem>>)
      tpu.yield
    }) : () -> ()
    %mul3A_74 = arith.constant 512 : i32
    %mul3A_75 = arith.muli %select_n3A, %mul3A_74 : i32
    %add3A_76 = arith.addi %mul3A_75, %mul3A_32 : i32
    "tpu.region"() ({
      %run_scoped3A = tpu.sem_alloc : memref<!tpu.dma_semaphore, #tpu.memory_space<semaphore_mem>>
      %dma_start3A = arith.constant 0 : i32
      %dma_start3A_83 = tpu.memref_slice %arg14[%dma_start3A] : memref<272xi32, #tpu.memory_space<vmem>> -> memref<256xi32, #tpu.memory_space<vmem>>
      %dma_start3A_84 = tpu.memref_slice %arg5[%add3A_76] : memref<8192xi32, #tpu.memory_space<hbm>> -> memref<256xi32, #tpu.memory_space<hbm>>
      %dma_start3A_85 = arith.constant 0 : i32
      %dma_start3A_86 = tpu.memref_slice %arg14[%dma_start3A_85] : memref<272xi32, #tpu.memory_space<vmem>> -> memref<256xi32, #tpu.memory_space<vmem>>
      %dma_start3A_87 = tpu.memref_slice %arg5[%add3A_76] : memref<8192xi32, #tpu.memory_space<hbm>> -> memref<256xi32, #tpu.memory_space<hbm>>
      tpu.enqueue_dma source(%dma_start3A_87 : memref<256xi32, #tpu.memory_space<hbm>>) target(%dma_start3A_86 : memref<256xi32, #tpu.memory_space<vmem>>) target_semaphore(%run_scoped3A : memref<!tpu.dma_semaphore, #tpu.memory_space<semaphore_mem>>)
      %dma_wait3A = arith.constant 0 : i32
      %dma_wait3A_88 = tpu.memref_slice %arg14[%dma_wait3A] : memref<272xi32, #tpu.memory_space<vmem>> -> memref<256xi32, #tpu.memory_space<vmem>>
      %dma_wait3A_89 = tpu.memref_slice %arg5[%add3A_76] : memref<8192xi32, #tpu.memory_space<hbm>> -> memref<256xi32, #tpu.memory_space<hbm>>
      %dma_wait3A_90 = arith.constant 0 : i32
      %dma_wait3A_91 = tpu.memref_slice %arg14[%dma_wait3A_90] : memref<272xi32, #tpu.memory_space<vmem>> -> memref<256xi32, #tpu.memory_space<vmem>>
      %dma_wait3A_92 = tpu.memref_slice %arg5[%add3A_76] : memref<8192xi32, #tpu.memory_space<hbm>> -> memref<256xi32, #tpu.memory_space<hbm>>
      tpu.wait_dma2 semaphore(%run_scoped3A : memref<!tpu.dma_semaphore, #tpu.memory_space<semaphore_mem>>) src(%dma_wait3A_92 : memref<256xi32, #tpu.memory_space<hbm>>) dst(%dma_wait3A_91 : memref<256xi32, #tpu.memory_space<vmem>>)
      tpu.yield
    }) : () -> ()
    %iota3A = tpu.iota {dimensions = array<i32: 0>} : vector<16xi32>
    %broadcast_in_dim3A = arith.constant 0.000000e+00 : f32
    %broadcast_in_dim3A_77 = vector.broadcast %broadcast_in_dim3A : f32 to vector<16xf32>
    %scan3A = arith.constant 0 : i32
    %scan3A_78 = arith.constant 0 : i32
    %scan3A_79 = arith.constant 256 : i32
    %scan3A_80 = arith.addi %scan3A_78, %scan3A_79 : i32
    %scan3A_81 = arith.constant 1 : i32
    scf.for %scan3A_83 = %scan3A_78 to %scan3A_80 step %scan3A_81  : i32 {
      %mul3A_84 = arith.constant 3 : i32
      %mul3A_85 = arith.muli %scan3A_83, %mul3A_84 : i32
      %broadcast_in_dim3A_86 = vector.broadcast %mul3A_85 : i32 to vector<16xi32>
      %gather3A = tpu.vector_load_idx %arg13[%broadcast_in_dim3A_86] : memref<784xf32, #tpu.memory_space<vmem>>[vector<16xi32>], vector<16xf32>,
      %add3A_87 = arith.constant 1 : i32
      %add3A_88 = vector.broadcast %add3A_87 : i32 to vector<16xi32>
      %add3A_89 = arith.addi %broadcast_in_dim3A_86, %add3A_88 : vector<16xi32>
      %gather3A_90 = tpu.vector_load_idx %arg13[%add3A_89] : memref<784xf32, #tpu.memory_space<vmem>>[vector<16xi32>], vector<16xf32>,
      %add3A_91 = arith.constant 2 : i32
      %add3A_92 = vector.broadcast %add3A_91 : i32 to vector<16xi32>
      %add3A_93 = arith.addi %broadcast_in_dim3A_86, %add3A_92 : vector<16xi32>
      %gather3A_94 = tpu.vector_load_idx %arg13[%add3A_93] : memref<784xf32, #tpu.memory_space<vmem>>[vector<16xi32>], vector<16xf32>,
      %broadcast_in_dim3A_95 = vector.broadcast %scan3A_83 : i32 to vector<16xi32>
      %gather3A_96 = tpu.vector_load_idx %arg14[%broadcast_in_dim3A_95] : memref<272xi32, #tpu.memory_space<vmem>>[vector<16xi32>], vector<16xi32>,
      %gather3A_97 = tpu.vector_load_idx %arg10[%gather3A_96] : memref<2048xf32, #tpu.memory_space<vmem>>[vector<16xi32>], vector<16xf32>,
      %gather3A_98 = tpu.vector_load_idx %arg11[%gather3A_96] : memref<2048xf32, #tpu.memory_space<vmem>>[vector<16xi32>], vector<16xf32>,
      %gather3A_99 = tpu.vector_load_idx %arg12[%gather3A_96] : memref<2048xf32, #tpu.memory_space<vmem>>[vector<16xi32>], vector<16xf32>,
      %add3A_100 = arith.constant 0 : i32
      %add3A_101 = vector.broadcast %add3A_100 : i32 to vector<16xi32>
      %add3A_102 = arith.addi %add3A_101, %iota3A : vector<16xi32>
      %mul3A_103 = arith.constant 6 : i32
      %mul3A_104 = vector.broadcast %mul3A_103 : i32 to vector<16xi32>
      %mul3A_105 = arith.muli %add3A_102, %mul3A_104 : vector<16xi32>
      tpu.vector_store_idx %arg15[%mul3A_105], %broadcast_in_dim3A_77 : memref<400xf32, #tpu.memory_space<vmem>>[vector<16xi32>], vector<16xf32>,
      %add3A_106 = arith.constant 1 : i32
      %add3A_107 = vector.broadcast %add3A_106 : i32 to vector<16xi32>
      %add3A_108 = arith.addi %mul3A_105, %add3A_107 : vector<16xi32>
      tpu.vector_store_idx %arg15[%add3A_108], %broadcast_in_dim3A_77 : memref<400xf32, #tpu.memory_space<vmem>>[vector<16xi32>], vector<16xf32>,
      %add3A_109 = arith.constant 2 : i32
      %add3A_110 = vector.broadcast %add3A_109 : i32 to vector<16xi32>
      %add3A_111 = arith.addi %mul3A_105, %add3A_110 : vector<16xi32>
      tpu.vector_store_idx %arg15[%add3A_111], %broadcast_in_dim3A_77 : memref<400xf32, #tpu.memory_space<vmem>>[vector<16xi32>], vector<16xf32>,
      %add3A_112 = arith.constant 3 : i32
      %add3A_113 = vector.broadcast %add3A_112 : i32 to vector<16xi32>
      %add3A_114 = arith.addi %mul3A_105, %add3A_113 : vector<16xi32>
      tpu.vector_store_idx %arg15[%add3A_114], %gather3A_97 : memref<400xf32, #tpu.memory_space<vmem>>[vector<16xi32>], vector<16xf32>,
      %add3A_115 = arith.constant 4 : i32
      %add3A_116 = vector.broadcast %add3A_115 : i32 to vector<16xi32>
      %add3A_117 = arith.addi %mul3A_105, %add3A_116 : vector<16xi32>
      tpu.vector_store_idx %arg15[%add3A_117], %gather3A_98 : memref<400xf32, #tpu.memory_space<vmem>>[vector<16xi32>], vector<16xf32>,
      %add3A_118 = arith.constant 5 : i32
      %add3A_119 = vector.broadcast %add3A_118 : i32 to vector<16xi32>
      %add3A_120 = arith.addi %mul3A_105, %add3A_119 : vector<16xi32>
      tpu.vector_store_idx %arg15[%add3A_120], %gather3A_99 : memref<400xf32, #tpu.memory_space<vmem>>[vector<16xi32>], vector<16xf32>,
      %add3A_121 = arith.constant 16 : i32
      %add3A_122 = vector.broadcast %add3A_121 : i32 to vector<16xi32>
      %add3A_123 = arith.addi %add3A_122, %iota3A : vector<16xi32>
      %mul3A_124 = arith.constant 6 : i32
      %mul3A_125 = vector.broadcast %mul3A_124 : i32 to vector<16xi32>
      %mul3A_126 = arith.muli %add3A_123, %mul3A_125 : vector<16xi32>
      tpu.vector_store_idx %arg15[%mul3A_126], %broadcast_in_dim3A_77 : memref<400xf32, #tpu.memory_space<vmem>>[vector<16xi32>], vector<16xf32>,
      %add3A_127 = arith.constant 1 : i32
      %add3A_128 = vector.broadcast %add3A_127 : i32 to vector<16xi32>
      %add3A_129 = arith.addi %mul3A_126, %add3A_128 : vector<16xi32>
      tpu.vector_store_idx %arg15[%add3A_129], %broadcast_in_dim3A_77 : memref<400xf32, #tpu.memory_space<vmem>>[vector<16xi32>], vector<16xf32>,
      %add3A_130 = arith.constant 2 : i32
      %add3A_131 = vector.broadcast %add3A_130 : i32 to vector<16xi32>
      %add3A_132 = arith.addi %mul3A_126, %add3A_131 : vector<16xi32>
      tpu.vector_store_idx %arg15[%add3A_132], %broadcast_in_dim3A_77 : memref<400xf32, #tpu.memory_space<vmem>>[vector<16xi32>], vector<16xf32>,
      %add3A_133 = arith.constant 3 : i32
      %add3A_134 = vector.broadcast %add3A_133 : i32 to vector<16xi32>
      %add3A_135 = arith.addi %mul3A_126, %add3A_134 : vector<16xi32>
      tpu.vector_store_idx %arg15[%add3A_135], %gather3A_97 : memref<400xf32, #tpu.memory_space<vmem>>[vector<16xi32>], vector<16xf32>,
      %add3A_136 = arith.constant 4 : i32
      %add3A_137 = vector.broadcast %add3A_136 : i32 to vector<16xi32>
      %add3A_138 = arith.addi %mul3A_126, %add3A_137 : vector<16xi32>
      tpu.vector_store_idx %arg15[%add3A_138], %gather3A_98 : memref<400xf32, #tpu.memory_space<vmem>>[vector<16xi32>], vector<16xf32>,
      %add3A_139 = arith.constant 5 : i32
      %add3A_140 = vector.broadcast %add3A_139 : i32 to vector<16xi32>
      %add3A_141 = arith.addi %mul3A_126, %add3A_140 : vector<16xi32>
      tpu.vector_store_idx %arg15[%add3A_141], %gather3A_99 : memref<400xf32, #tpu.memory_space<vmem>>[vector<16xi32>], vector<16xf32>,
      %add3A_142 = arith.constant 32 : i32
      %add3A_143 = vector.broadcast %add3A_142 : i32 to vector<16xi32>
      %add3A_144 = arith.addi %add3A_143, %iota3A : vector<16xi32>
      %mul3A_145 = arith.constant 6 : i32
      %mul3A_146 = vector.broadcast %mul3A_145 : i32 to vector<16xi32>
      %mul3A_147 = arith.muli %add3A_144, %mul3A_146 : vector<16xi32>
      tpu.vector_store_idx %arg15[%mul3A_147], %broadcast_in_dim3A_77 : memref<400xf32, #tpu.memory_space<vmem>>[vector<16xi32>], vector<16xf32>,
      %add3A_148 = arith.constant 1 : i32
      %add3A_149 = vector.broadcast %add3A_148 : i32 to vector<16xi32>
      %add3A_150 = arith.addi %mul3A_147, %add3A_149 : vector<16xi32>
      tpu.vector_store_idx %arg15[%add3A_150], %broadcast_in_dim3A_77 : memref<400xf32, #tpu.memory_space<vmem>>[vector<16xi32>], vector<16xf32>,
      %add3A_151 = arith.constant 2 : i32
      %add3A_152 = vector.broadcast %add3A_151 : i32 to vector<16xi32>
      %add3A_153 = arith.addi %mul3A_147, %add3A_152 : vector<16xi32>
      tpu.vector_store_idx %arg15[%add3A_153], %broadcast_in_dim3A_77 : memref<400xf32, #tpu.memory_space<vmem>>[vector<16xi32>], vector<16xf32>,
      %add3A_154 = arith.constant 3 : i32
      %add3A_155 = vector.broadcast %add3A_154 : i32 to vector<16xi32>
      %add3A_156 = arith.addi %mul3A_147, %add3A_155 : vector<16xi32>
      tpu.vector_store_idx %arg15[%add3A_156], %gather3A_97 : memref<400xf32, #tpu.memory_space<vmem>>[vector<16xi32>], vector<16xf32>,
      %add3A_157 = arith.constant 4 : i32
      %add3A_158 = vector.broadcast %add3A_157 : i32 to vector<16xi32>
      %add3A_159 = arith.addi %mul3A_147, %add3A_158 : vector<16xi32>
      tpu.vector_store_idx %arg15[%add3A_159], %gather3A_98 : memref<400xf32, #tpu.memory_space<vmem>>[vector<16xi32>], vector<16xf32>,
      %add3A_160 = arith.constant 5 : i32
      %add3A_161 = vector.broadcast %add3A_160 : i32 to vector<16xi32>
      %add3A_162 = arith.addi %mul3A_147, %add3A_161 : vector<16xi32>
      tpu.vector_store_idx %arg15[%add3A_162], %gather3A_99 : memref<400xf32, #tpu.memory_space<vmem>>[vector<16xi32>], vector<16xf32>,
      %add3A_163 = arith.constant 48 : i32
      %add3A_164 = vector.broadcast %add3A_163 : i32 to vector<16xi32>
      %add3A_165 = arith.addi %add3A_164, %iota3A : vector<16xi32>
      %mul3A_166 = arith.constant 6 : i32
      %mul3A_167 = vector.broadcast %mul3A_166 : i32 to vector<16xi32>
      %mul3A_168 = arith.muli %add3A_165, %mul3A_167 : vector<16xi32>
      tpu.vector_store_idx %arg15[%mul3A_168], %broadcast_in_dim3A_77 : memref<400xf32, #tpu.memory_space<vmem>>[vector<16xi32>], vector<16xf32>,
      %add3A_169 = arith.constant 1 : i32
      %add3A_170 = vector.broadcast %add3A_169 : i32 to vector<16xi32>
      %add3A_171 = arith.addi %mul3A_168, %add3A_170 : vector<16xi32>
      tpu.vector_store_idx %arg15[%add3A_171], %broadcast_in_dim3A_77 : memref<400xf32, #tpu.memory_space<vmem>>[vector<16xi32>], vector<16xf32>,
      %add3A_172 = arith.constant 2 : i32
      %add3A_173 = vector.broadcast %add3A_172 : i32 to vector<16xi32>
      %add3A_174 = arith.addi %mul3A_168, %add3A_173 : vector<16xi32>
      tpu.vector_store_idx %arg15[%add3A_174], %broadcast_in_dim3A_77 : memref<400xf32, #tpu.memory_space<vmem>>[vector<16xi32>], vector<16xf32>,
      %add3A_175 = arith.constant 3 : i32
      %add3A_176 = vector.broadcast %add3A_175 : i32 to vector<16xi32>
      %add3A_177 = arith.addi %mul3A_168, %add3A_176 : vector<16xi32>
      tpu.vector_store_idx %arg15[%add3A_177], %gather3A_97 : memref<400xf32, #tpu.memory_space<vmem>>[vector<16xi32>], vector<16xf32>,
      %add3A_178 = arith.constant 4 : i32
      %add3A_179 = vector.broadcast %add3A_178 : i32 to vector<16xi32>
      %add3A_180 = arith.addi %mul3A_168, %add3A_179 : vector<16xi32>
      tpu.vector_store_idx %arg15[%add3A_180], %gather3A_98 : memref<400xf32, #tpu.memory_space<vmem>>[vector<16xi32>], vector<16xf32>,
      %add3A_181 = arith.constant 5 : i32
      %add3A_182 = vector.broadcast %add3A_181 : i32 to vector<16xi32>
      %add3A_183 = arith.addi %mul3A_168, %add3A_182 : vector<16xi32>
      tpu.vector_store_idx %arg15[%add3A_183], %gather3A_99 : memref<400xf32, #tpu.memory_space<vmem>>[vector<16xi32>], vector<16xf32>,
      %broadcast_in_dim3A_184 = arith.constant 0 : i32
      %broadcast_in_dim3A_185 = vector.broadcast %broadcast_in_dim3A_184 : i32 to vector<16xi32>
      %swap3A = arith.constant 0 : index
      %swap3A_186 = tpu.vector_load %arg16[%swap3A] {strides = array<i32>} : memref<16xi32, #tpu.memory_space<vmem>>, vector<16xi32>,
      tpu.vector_store %arg16[%swap3A], %broadcast_in_dim3A_185 {strides = array<i32>} : memref<16xi32, #tpu.memory_space<vmem>>, vector<16xi32>,
      %scan3A_187 = arith.constant 0 : i32
      %scan3A_188 = arith.constant 0 : i32
      %scan3A_189 = arith.constant 128 : i32
      %scan3A_190 = arith.addi %scan3A_188, %scan3A_189 : i32
      %scan3A_191 = arith.constant 1 : i32
      scf.for %scan3A_201 = %scan3A_188 to %scan3A_190 step %scan3A_191  : i32 {
        %mul3A_202 = arith.constant 16 : i32
        %mul3A_203 = arith.muli %scan3A_201, %mul3A_202 : i32
        %get3A = arith.index_cast %mul3A_203 : i32 to index
        %get3A_204 = tpu.vector_load %arg7[%get3A] {strides = array<i32>} : memref<2048xf32, #tpu.memory_space<vmem>>, vector<16xf32>,
        %mul3A_205 = arith.constant 16 : i32
        %mul3A_206 = arith.muli %scan3A_201, %mul3A_205 : i32
        %get3A_207 = arith.index_cast %mul3A_206 : i32 to index
        %get3A_208 = tpu.vector_load %arg8[%get3A_207] {strides = array<i32>} : memref<2048xf32, #tpu.memory_space<vmem>>, vector<16xf32>,
        %mul3A_209 = arith.constant 16 : i32
        %mul3A_210 = arith.muli %scan3A_201, %mul3A_209 : i32
        %get3A_211 = arith.index_cast %mul3A_210 : i32 to index
        %get3A_212 = tpu.vector_load %arg9[%get3A_211] {strides = array<i32>} : memref<2048xf32, #tpu.memory_space<vmem>>, vector<16xf32>,
        %sub3A_213 = arith.subf %get3A_204, %gather3A : vector<16xf32>
        %sub3A_214 = arith.subf %get3A_208, %gather3A_90 : vector<16xf32>
        %sub3A_215 = arith.subf %get3A_212, %gather3A_94 : vector<16xf32>
        %mul3A_216 = arith.mulf %sub3A_213, %sub3A_213 : vector<16xf32>
        %mul3A_217 = arith.mulf %sub3A_214, %sub3A_214 : vector<16xf32>
        %add3A_218 = arith.addf %mul3A_216, %mul3A_217 : vector<16xf32>
        %mul3A_219 = arith.mulf %sub3A_215, %sub3A_215 : vector<16xf32>
        %add3A_220 = arith.addf %add3A_218, %mul3A_219 : vector<16xf32>
        %le3A = arith.constant 4.000000e-02 : f32
        %le3A_221 = vector.broadcast %le3A : f32 to vector<16xf32>
        %le3A_222 = arith.cmpf ole, %add3A_220, %le3A_221 : vector<16xf32>
        %get3A_223 = arith.constant 0 : index
        %get3A_224 = tpu.vector_load %arg16[%get3A_223] {strides = array<i32>} : memref<16xi32, #tpu.memory_space<vmem>>, vector<16xi32>,
        %convert_element_type3A = arith.extui %le3A_222 : vector<16xi1> to vector<16xi32>
        %broadcast_in_dim3A_225 = arith.constant true
        %broadcast_in_dim3A_226 = vector.broadcast %broadcast_in_dim3A_225 : i1 to vector<16xi1>
        %masked_cumsum3A = tpu.scan <sum>, %convert_element_type3A masked %broadcast_in_dim3A_226 : vector<16xi32>, vector<16xi1> -> vector<16xi32>
        %add3A_227 = arith.addi %get3A_224, %masked_cumsum3A : vector<16xi32>
        %sub3A_228 = arith.constant 1 : i32
        %sub3A_229 = vector.broadcast %sub3A_228 : i32 to vector<16xi32>
        %sub3A_230 = arith.subi %add3A_227, %sub3A_229 : vector<16xi32>
        %lt3A_231 = arith.constant 64 : i32
        %lt3A_232 = vector.broadcast %lt3A_231 : i32 to vector<16xi32>
        %lt3A_233 = arith.cmpi slt, %sub3A_230, %lt3A_232 : vector<16xi32>
        %and3A_234 = arith.andi %le3A_222, %lt3A_233 : vector<16xi1>
        %jit3A_235 = arith.constant 64 : i32
        %broadcast_in_dim3A_236 = vector.broadcast %jit3A_235 : i32 to vector<16xi32>
        %select_n3A_237 = arith.select %and3A_234, %sub3A_230, %broadcast_in_dim3A_236 : vector<16xi1>, vector<16xi32>
        %mul3A_238 = arith.constant 6 : i32
        %mul3A_239 = vector.broadcast %mul3A_238 : i32 to vector<16xi32>
        %mul3A_240 = arith.muli %select_n3A_237, %mul3A_239 : vector<16xi32>
        tpu.vector_store_idx %arg15[%mul3A_240], %sub3A_213 : memref<400xf32, #tpu.memory_space<vmem>>[vector<16xi32>], vector<16xf32>,
        %add3A_241 = arith.constant 1 : i32
        %add3A_242 = vector.broadcast %add3A_241 : i32 to vector<16xi32>
        %add3A_243 = arith.addi %mul3A_240, %add3A_242 : vector<16xi32>
        tpu.vector_store_idx %arg15[%add3A_243], %sub3A_214 : memref<400xf32, #tpu.memory_space<vmem>>[vector<16xi32>], vector<16xf32>,
        %add3A_244 = arith.constant 2 : i32
        %add3A_245 = vector.broadcast %add3A_244 : i32 to vector<16xi32>
        %add3A_246 = arith.addi %mul3A_240, %add3A_245 : vector<16xi32>
        tpu.vector_store_idx %arg15[%add3A_246], %sub3A_215 : memref<400xf32, #tpu.memory_space<vmem>>[vector<16xi32>], vector<16xf32>,
        %add3A_247 = arith.constant 3 : i32
        %add3A_248 = vector.broadcast %add3A_247 : i32 to vector<16xi32>
        %add3A_249 = arith.addi %mul3A_240, %add3A_248 : vector<16xi32>
        %mul3A_250 = arith.constant 16 : i32
        %mul3A_251 = arith.muli %scan3A_201, %mul3A_250 : i32
        %get3A_252 = arith.index_cast %mul3A_251 : i32 to index
        %get3A_253 = tpu.vector_load %arg10[%get3A_252] {strides = array<i32>} : memref<2048xf32, #tpu.memory_space<vmem>>, vector<16xf32>,
        tpu.vector_store_idx %arg15[%add3A_249], %get3A_253 : memref<400xf32, #tpu.memory_space<vmem>>[vector<16xi32>], vector<16xf32>,
        %add3A_254 = arith.constant 4 : i32
        %add3A_255 = vector.broadcast %add3A_254 : i32 to vector<16xi32>
        %add3A_256 = arith.addi %mul3A_240, %add3A_255 : vector<16xi32>
        %mul3A_257 = arith.constant 16 : i32
        %mul3A_258 = arith.muli %scan3A_201, %mul3A_257 : i32
        %get3A_259 = arith.index_cast %mul3A_258 : i32 to index
        %get3A_260 = tpu.vector_load %arg11[%get3A_259] {strides = array<i32>} : memref<2048xf32, #tpu.memory_space<vmem>>, vector<16xf32>,
        tpu.vector_store_idx %arg15[%add3A_256], %get3A_260 : memref<400xf32, #tpu.memory_space<vmem>>[vector<16xi32>], vector<16xf32>,
        %add3A_261 = arith.constant 5 : i32
        %add3A_262 = vector.broadcast %add3A_261 : i32 to vector<16xi32>
        %add3A_263 = arith.addi %mul3A_240, %add3A_262 : vector<16xi32>
        %mul3A_264 = arith.constant 16 : i32
        %mul3A_265 = arith.muli %scan3A_201, %mul3A_264 : i32
        %get3A_266 = arith.index_cast %mul3A_265 : i32 to index
        %get3A_267 = tpu.vector_load %arg12[%get3A_266] {strides = array<i32>} : memref<2048xf32, #tpu.memory_space<vmem>>, vector<16xf32>,
        tpu.vector_store_idx %arg15[%add3A_263], %get3A_267 : memref<400xf32, #tpu.memory_space<vmem>>[vector<16xi32>], vector<16xf32>,
        %all_reduce_population_count3A = tpu.all_reduce %le3A_222 {dim = 0 : i64, kind = #tpu.reduction_kind<sum>} : vector<16xi1> -> vector<16xi32>
        %add3A_268 = arith.addi %get3A_224, %all_reduce_population_count3A : vector<16xi32>
        %swap3A_269 = arith.constant 0 : index
        %swap3A_270 = tpu.vector_load %arg16[%swap3A_269] {strides = array<i32>} : memref<16xi32, #tpu.memory_space<vmem>>, vector<16xi32>,
        tpu.vector_store %arg16[%swap3A_269], %add3A_268 {strides = array<i32>} : memref<16xi32, #tpu.memory_space<vmem>>, vector<16xi32>,
      }
      %scan3A_192 = arith.constant 128 : i32
      %mul3A_193 = arith.constant 512 : i32
      %mul3A_194 = arith.muli %select_n3A, %mul3A_193 : i32
      %add3A_195 = arith.addi %mul3A_194, %mul3A_32 : i32
      %add3A_196 = arith.addi %add3A_195, %scan3A_83 : i32
      %mul3A_197 = arith.constant 64 : i32
      %mul3A_198 = arith.muli %add3A_196, %mul3A_197 : i32
      %mul3A_199 = arith.constant 6 : i32
      %mul3A_200 = arith.muli %mul3A_198, %mul3A_199 : i32
      "tpu.region"() ({
        %run_scoped3A = tpu.sem_alloc : memref<!tpu.dma_semaphore, #tpu.memory_space<semaphore_mem>>
        %dma_start3A = arith.constant 0 : i32
        %dma_start3A_201 = tpu.memref_slice %arg15[%dma_start3A] : memref<400xf32, #tpu.memory_space<vmem>> -> memref<384xf32, #tpu.memory_space<vmem>>
        %dma_start3A_202 = tpu.memref_slice %arg6[%mul3A_200] : memref<3145728xf32, #tpu.memory_space<hbm>> -> memref<384xf32, #tpu.memory_space<hbm>>
        %dma_start3A_203 = tpu.memref_slice %arg6[%mul3A_200] : memref<3145728xf32, #tpu.memory_space<hbm>> -> memref<384xf32, #tpu.memory_space<hbm>>
        %dma_start3A_204 = arith.constant 0 : i32
        %dma_start3A_205 = tpu.memref_slice %arg15[%dma_start3A_204] : memref<400xf32, #tpu.memory_space<vmem>> -> memref<384xf32, #tpu.memory_space<vmem>>
        tpu.enqueue_dma source(%dma_start3A_205 : memref<384xf32, #tpu.memory_space<vmem>>) target(%dma_start3A_203 : memref<384xf32, #tpu.memory_space<hbm>>) target_semaphore(%run_scoped3A : memref<!tpu.dma_semaphore, #tpu.memory_space<semaphore_mem>>)
        %dma_wait3A = arith.constant 0 : i32
        %dma_wait3A_206 = tpu.memref_slice %arg15[%dma_wait3A] : memref<400xf32, #tpu.memory_space<vmem>> -> memref<384xf32, #tpu.memory_space<vmem>>
        %dma_wait3A_207 = tpu.memref_slice %arg6[%mul3A_200] : memref<3145728xf32, #tpu.memory_space<hbm>> -> memref<384xf32, #tpu.memory_space<hbm>>
        %dma_wait3A_208 = tpu.memref_slice %arg6[%mul3A_200] : memref<3145728xf32, #tpu.memory_space<hbm>> -> memref<384xf32, #tpu.memory_space<hbm>>
        %dma_wait3A_209 = arith.constant 0 : i32
        %dma_wait3A_210 = tpu.memref_slice %arg15[%dma_wait3A_209] : memref<400xf32, #tpu.memory_space<vmem>> -> memref<384xf32, #tpu.memory_space<vmem>>
        tpu.wait_dma2 semaphore(%run_scoped3A : memref<!tpu.dma_semaphore, #tpu.memory_space<semaphore_mem>>) src(%dma_wait3A_210 : memref<384xf32, #tpu.memory_space<vmem>>) dst(%dma_wait3A_208 : memref<384xf32, #tpu.memory_space<hbm>>)
        tpu.yield
      }) : () -> ()
    }
    %scan3A_82 = arith.constant 256 : i32
    return
  }
}

module attributes {stable_mosaic.version = 14 : i64} {
  func.func @_fps_body(%arg0: memref<16x3x2048xf32, #tpu.memory_space<vmem>>, %arg1: memref<512x16x3xf32, #tpu.memory_space<vmem>>, %arg2: memref<512x16x1xi32, #tpu.memory_space<vmem>>) attributes {dimension_semantics = [], scalar_prefetch = 0 : i64, scratch_operands = 0 : i64, tpu.core_type = #tpu.core_type<tc>} {
    %get3A = arith.constant 0 : index
    %get3A_0 = arith.constant 0 : index
    %get3A_1 = arith.constant 0 : index
    %get3A_2 = vector.load %arg0[%get3A, %get3A_0, %get3A_1] : memref<16x3x2048xf32, #tpu.memory_space<vmem>>, vector<16x3x2048xf32>
    %iota3A = tpu.iota {dimensions = array<i32: 2>} : vector<16x1x2048xi32>
    %broadcast_in_dim3A = arith.constant 1.000000e+10 : f32
    %broadcast_in_dim3A_3 = vector.broadcast %broadcast_in_dim3A : f32 to vector<16x2048xf32>
    %broadcast_in_dim3A_4 = arith.constant 0 : i32
    %broadcast_in_dim3A_5 = vector.broadcast %broadcast_in_dim3A_4 : i32 to vector<16x1xi32>
    %scan3A = arith.constant 0 : i32
    %scan3A_6 = arith.constant 512 : i32
    %scan3A_7 = arith.addi %scan3A, %scan3A_6 : i32
    %scan3A_8 = arith.constant 1 : i32
    %scan3A_9:2 = scf.for %scan3A_11 = %scan3A to %scan3A_7 step %scan3A_8 iter_args(%scan3A_12 = %broadcast_in_dim3A_3, %scan3A_13 = %broadcast_in_dim3A_5) -> (vector<16x2048xf32>, vector<16x1xi32>)  : i32 {
      %broadcast_in_dim3A_14 = vector.shape_cast %scan3A_13 : vector<16x1xi32> to vector<16x1x1xi32>
      %eq3A = vector.broadcast %broadcast_in_dim3A_14 : vector<16x1x1xi32> to vector<16x1x2048xi32>
      %eq3A_15 = arith.cmpi eq, %iota3A, %eq3A : vector<16x1x2048xi32>
      %jit3A = arith.constant 0.000000e+00 : f32
      %broadcast_in_dim3A_16 = vector.shape_cast %eq3A_15 : vector<16x1x2048xi1> to vector<16x1x2048xi1>
      %broadcast_in_dim3A_17 = vector.broadcast %broadcast_in_dim3A_16 : vector<16x1x2048xi1> to vector<16x3x2048xi1>
      %broadcast_in_dim3A_18 = vector.broadcast %jit3A : f32 to vector<16x3x2048xf32>
      %select_n3A = arith.select %broadcast_in_dim3A_17, %get3A_2, %broadcast_in_dim3A_18 : vector<16x3x2048xi1>, vector<16x3x2048xf32>
      %reduce_sum3A = arith.constant dense<0.000000e+00> : vector<16x3xf32>
      %reduce_sum3A_19 = vector.multi_reduction <add>, %select_n3A, %reduce_sum3A [2] : vector<16x3x2048xf32> to vector<16x3xf32>
      %broadcast_in_dim3A_20 = vector.shape_cast %reduce_sum3A_19 : vector<16x3xf32> to vector<1x16x3xf32>
      %swap3A = arith.index_cast %scan3A_11 : i32 to index
      %swap3A_21 = arith.constant 0 : index
      %swap3A_22 = arith.constant 0 : index
      %swap3A_23 = vector.load %arg1[%swap3A, %swap3A_21, %swap3A_22] : memref<512x16x3xf32, #tpu.memory_space<vmem>>, vector<1x16x3xf32>
      tpu.vector_store %arg1[%swap3A, %swap3A_21, %swap3A_22], %broadcast_in_dim3A_20 {strides = array<i32>} : memref<512x16x3xf32, #tpu.memory_space<vmem>>, vector<1x16x3xf32>,
      %broadcast_in_dim3A_24 = vector.shape_cast %scan3A_13 : vector<16x1xi32> to vector<1x16x1xi32>
      %swap3A_25 = arith.index_cast %scan3A_11 : i32 to index
      %swap3A_26 = arith.constant 0 : index
      %swap3A_27 = arith.constant 0 : index
      %swap3A_28 = vector.load %arg2[%swap3A_25, %swap3A_26, %swap3A_27] : memref<512x16x1xi32, #tpu.memory_space<vmem>>, vector<1x16x1xi32>
      tpu.vector_store %arg2[%swap3A_25, %swap3A_26, %swap3A_27], %broadcast_in_dim3A_24 {strides = array<i32>} : memref<512x16x1xi32, #tpu.memory_space<vmem>>, vector<1x16x1xi32>,
      %broadcast_in_dim3A_29 = vector.shape_cast %reduce_sum3A_19 : vector<16x3xf32> to vector<16x3x1xf32>
      %sub3A = vector.broadcast %broadcast_in_dim3A_29 : vector<16x3x1xf32> to vector<16x3x2048xf32>
      %sub3A_30 = arith.subf %get3A_2, %sub3A : vector<16x3x2048xf32>
      %mul3A = arith.mulf %sub3A_30, %sub3A_30 : vector<16x3x2048xf32>
      %slice3A = vector.extract_strided_slice %mul3A {offsets = [0, 0, 0], sizes = [16, 1, 2048], strides = [1, 1, 1]} : vector<16x3x2048xf32> to vector<16x1x2048xf32>
      %squeeze3A = vector.shape_cast %slice3A : vector<16x1x2048xf32> to vector<16x2048xf32>
      %slice3A_31 = vector.extract_strided_slice %mul3A {offsets = [0, 1, 0], sizes = [16, 1, 2048], strides = [1, 1, 1]} : vector<16x3x2048xf32> to vector<16x1x2048xf32>
      %squeeze3A_32 = vector.shape_cast %slice3A_31 : vector<16x1x2048xf32> to vector<16x2048xf32>
      %add3A = arith.addf %squeeze3A, %squeeze3A_32 : vector<16x2048xf32>
      %slice3A_33 = vector.extract_strided_slice %mul3A {offsets = [0, 2, 0], sizes = [16, 1, 2048], strides = [1, 1, 1]} : vector<16x3x2048xf32> to vector<16x1x2048xf32>
      %squeeze3A_34 = vector.shape_cast %slice3A_33 : vector<16x1x2048xf32> to vector<16x2048xf32>
      %add3A_35 = arith.addf %add3A, %squeeze3A_34 : vector<16x2048xf32>
      %min3A = arith.minimumf %scan3A_12, %add3A_35 : vector<16x2048xf32>
      %argmax3A = tpu.reduce_index %min3A {axis = 1 : i32, kind = #tpu.reduction_kind<arg_max>} : vector<16x2048xf32> -> vector<16xi32>
      %broadcast_in_dim3A_36 = vector.shape_cast %argmax3A : vector<16xi32> to vector<16x1xi32>
      scf.yield %min3A, %broadcast_in_dim3A_36 : vector<16x2048xf32>, vector<16x1xi32>
    }
    %scan3A_10 = arith.constant 512 : i32
    return
  }
}

module attributes {stable_mosaic.version = 14 : i64} {
  func.func @_fps_body(%arg0: memref<16x3x512xf32, #tpu.memory_space<vmem>>, %arg1: memref<128x16x3xf32, #tpu.memory_space<vmem>>, %arg2: memref<128x16x1xi32, #tpu.memory_space<vmem>>) attributes {dimension_semantics = [], scalar_prefetch = 0 : i64, scratch_operands = 0 : i64, tpu.core_type = #tpu.core_type<tc>} {
    %get3A = arith.constant 0 : index
    %get3A_0 = arith.constant 0 : index
    %get3A_1 = arith.constant 0 : index
    %get3A_2 = vector.load %arg0[%get3A, %get3A_0, %get3A_1] : memref<16x3x512xf32, #tpu.memory_space<vmem>>, vector<16x3x512xf32>
    %iota3A = tpu.iota {dimensions = array<i32: 2>} : vector<16x1x512xi32>
    %broadcast_in_dim3A = arith.constant 1.000000e+10 : f32
    %broadcast_in_dim3A_3 = vector.broadcast %broadcast_in_dim3A : f32 to vector<16x512xf32>
    %broadcast_in_dim3A_4 = arith.constant 0 : i32
    %broadcast_in_dim3A_5 = vector.broadcast %broadcast_in_dim3A_4 : i32 to vector<16x1xi32>
    %scan3A = arith.constant 0 : i32
    %scan3A_6 = arith.constant 128 : i32
    %scan3A_7 = arith.addi %scan3A, %scan3A_6 : i32
    %scan3A_8 = arith.constant 1 : i32
    %scan3A_9:2 = scf.for %scan3A_11 = %scan3A to %scan3A_7 step %scan3A_8 iter_args(%scan3A_12 = %broadcast_in_dim3A_3, %scan3A_13 = %broadcast_in_dim3A_5) -> (vector<16x512xf32>, vector<16x1xi32>)  : i32 {
      %broadcast_in_dim3A_14 = vector.shape_cast %scan3A_13 : vector<16x1xi32> to vector<16x1x1xi32>
      %eq3A = vector.broadcast %broadcast_in_dim3A_14 : vector<16x1x1xi32> to vector<16x1x512xi32>
      %eq3A_15 = arith.cmpi eq, %iota3A, %eq3A : vector<16x1x512xi32>
      %jit3A = arith.constant 0.000000e+00 : f32
      %broadcast_in_dim3A_16 = vector.shape_cast %eq3A_15 : vector<16x1x512xi1> to vector<16x1x512xi1>
      %broadcast_in_dim3A_17 = vector.broadcast %broadcast_in_dim3A_16 : vector<16x1x512xi1> to vector<16x3x512xi1>
      %broadcast_in_dim3A_18 = vector.broadcast %jit3A : f32 to vector<16x3x512xf32>
      %select_n3A = arith.select %broadcast_in_dim3A_17, %get3A_2, %broadcast_in_dim3A_18 : vector<16x3x512xi1>, vector<16x3x512xf32>
      %reduce_sum3A = arith.constant dense<0.000000e+00> : vector<16x3xf32>
      %reduce_sum3A_19 = vector.multi_reduction <add>, %select_n3A, %reduce_sum3A [2] : vector<16x3x512xf32> to vector<16x3xf32>
      %broadcast_in_dim3A_20 = vector.shape_cast %reduce_sum3A_19 : vector<16x3xf32> to vector<1x16x3xf32>
      %swap3A = arith.index_cast %scan3A_11 : i32 to index
      %swap3A_21 = arith.constant 0 : index
      %swap3A_22 = arith.constant 0 : index
      %swap3A_23 = vector.load %arg1[%swap3A, %swap3A_21, %swap3A_22] : memref<128x16x3xf32, #tpu.memory_space<vmem>>, vector<1x16x3xf32>
      tpu.vector_store %arg1[%swap3A, %swap3A_21, %swap3A_22], %broadcast_in_dim3A_20 {strides = array<i32>} : memref<128x16x3xf32, #tpu.memory_space<vmem>>, vector<1x16x3xf32>,
      %broadcast_in_dim3A_24 = vector.shape_cast %scan3A_13 : vector<16x1xi32> to vector<1x16x1xi32>
      %swap3A_25 = arith.index_cast %scan3A_11 : i32 to index
      %swap3A_26 = arith.constant 0 : index
      %swap3A_27 = arith.constant 0 : index
      %swap3A_28 = vector.load %arg2[%swap3A_25, %swap3A_26, %swap3A_27] : memref<128x16x1xi32, #tpu.memory_space<vmem>>, vector<1x16x1xi32>
      tpu.vector_store %arg2[%swap3A_25, %swap3A_26, %swap3A_27], %broadcast_in_dim3A_24 {strides = array<i32>} : memref<128x16x1xi32, #tpu.memory_space<vmem>>, vector<1x16x1xi32>,
      %broadcast_in_dim3A_29 = vector.shape_cast %reduce_sum3A_19 : vector<16x3xf32> to vector<16x3x1xf32>
      %sub3A = vector.broadcast %broadcast_in_dim3A_29 : vector<16x3x1xf32> to vector<16x3x512xf32>
      %sub3A_30 = arith.subf %get3A_2, %sub3A : vector<16x3x512xf32>
      %mul3A = arith.mulf %sub3A_30, %sub3A_30 : vector<16x3x512xf32>
      %slice3A = vector.extract_strided_slice %mul3A {offsets = [0, 0, 0], sizes = [16, 1, 512], strides = [1, 1, 1]} : vector<16x3x512xf32> to vector<16x1x512xf32>
      %squeeze3A = vector.shape_cast %slice3A : vector<16x1x512xf32> to vector<16x512xf32>
      %slice3A_31 = vector.extract_strided_slice %mul3A {offsets = [0, 1, 0], sizes = [16, 1, 512], strides = [1, 1, 1]} : vector<16x3x512xf32> to vector<16x1x512xf32>
      %squeeze3A_32 = vector.shape_cast %slice3A_31 : vector<16x1x512xf32> to vector<16x512xf32>
      %add3A = arith.addf %squeeze3A, %squeeze3A_32 : vector<16x512xf32>
      %slice3A_33 = vector.extract_strided_slice %mul3A {offsets = [0, 2, 0], sizes = [16, 1, 512], strides = [1, 1, 1]} : vector<16x3x512xf32> to vector<16x1x512xf32>
      %squeeze3A_34 = vector.shape_cast %slice3A_33 : vector<16x1x512xf32> to vector<16x512xf32>
      %add3A_35 = arith.addf %add3A, %squeeze3A_34 : vector<16x512xf32>
      %min3A = arith.minimumf %scan3A_12, %add3A_35 : vector<16x512xf32>
      %argmax3A = tpu.reduce_index %min3A {axis = 1 : i32, kind = #tpu.reduction_kind<arg_max>} : vector<16x512xf32> -> vector<16xi32>
      %broadcast_in_dim3A_36 = vector.shape_cast %argmax3A : vector<16xi32> to vector<16x1xi32>
      scf.yield %min3A, %broadcast_in_dim3A_36 : vector<16x512xf32>, vector<16x1xi32>
    }
    %scan3A_10 = arith.constant 128 : i32
    return
  }
}

module attributes {stable_mosaic.version = 14 : i64} {
  func.func @_sa_mlp_body(%arg0: i32, %arg1: i32, %arg2: memref<1x1024x6xf32, #tpu.memory_space<vmem>>, %arg3: memref<64x6xf32, #tpu.memory_space<vmem>>, %arg4: memref<1x64xf32, #tpu.memory_space<vmem>>, %arg5: memref<64x64xf32, #tpu.memory_space<vmem>>, %arg6: memref<1x64xf32, #tpu.memory_space<vmem>>, %arg7: memref<128x64xf32, #tpu.memory_space<vmem>>, %arg8: memref<1x128xf32, #tpu.memory_space<vmem>>, %arg9: memref<1x16x128xf32, #tpu.memory_space<vmem>>) attributes {dimension_semantics = [#tpu.dimension_semantics<arbitrary>, #tpu.dimension_semantics<arbitrary>], iteration_bounds = array<i64: 16, 32>, scalar_prefetch = 0 : i64, scratch_operands = 0 : i64, tpu.core_type = #tpu.core_type<tc>, window_params = [{transform_indices = @transform_0, window_bounds = array<i64: 1, 1024, 6>}, {pipeline_mode = #tpu.pipeline_mode<synchronous>, transform_indices = @transform_1, window_bounds = array<i64: 64, 6>}, {pipeline_mode = #tpu.pipeline_mode<synchronous>, transform_indices = @transform_2, window_bounds = array<i64: 1, 64>}, {pipeline_mode = #tpu.pipeline_mode<synchronous>, transform_indices = @transform_3, window_bounds = array<i64: 64, 64>}, {pipeline_mode = #tpu.pipeline_mode<synchronous>, transform_indices = @transform_4, window_bounds = array<i64: 1, 64>}, {pipeline_mode = #tpu.pipeline_mode<synchronous>, transform_indices = @transform_5, window_bounds = array<i64: 128, 64>}, {pipeline_mode = #tpu.pipeline_mode<synchronous>, transform_indices = @transform_6, window_bounds = array<i64: 1, 128>}, {transform_indices = @transform_7, window_bounds = array<i64: 1, 16, 128>}]} {
    %get3A = arith.constant 0 : index
    %get3A_0 = arith.constant 0 : index
    %get3A_1 = arith.constant 0 : index
    %get3A_2 = vector.load %arg2[%get3A, %get3A_0, %get3A_1] : memref<1x1024x6xf32, #tpu.memory_space<vmem>>, vector<1x1024x6xf32>
    %get3A_3 = vector.shape_cast %get3A_2 : vector<1x1024x6xf32> to vector<1024x6xf32>
    %get3A_4 = arith.constant 0 : index
    %get3A_5 = arith.constant 0 : index
    %get3A_6 = vector.load %arg3[%get3A_4, %get3A_5] : memref<64x6xf32, #tpu.memory_space<vmem>>, vector<64x6xf32>
    %dot_general3A = arith.constant dense<0.000000e+00> : vector<1024x64xf32>
    %dot_general3A_7 = tpu.matmul %get3A_3, %get3A_6, %dot_general3A {dimension_numbers = #tpu.dot_dimension_numbers<[1], [1], [0], [0], [0, 0, 1, 0], [], []>, transpose_lhs_hint = false} : vector<1024x6xf32>, vector<64x6xf32>, vector<1024x64xf32> -> vector<1024x64xf32>
    %get3A_8 = arith.constant 0 : index
    %get3A_9 = arith.constant 0 : index
    %get3A_10 = vector.load %arg4[%get3A_8, %get3A_9] : memref<1x64xf32, #tpu.memory_space<vmem>>, vector<1x64xf32>
    %add3A = vector.broadcast %get3A_10 : vector<1x64xf32> to vector<1024x64xf32>
    %add3A_11 = arith.addf %dot_general3A_7, %add3A : vector<1024x64xf32>
    %max3A = arith.constant 0.000000e+00 : f32
    %max3A_12 = vector.broadcast %max3A : f32 to vector<1024x64xf32>
    %max3A_13 = arith.maximumf %add3A_11, %max3A_12 : vector<1024x64xf32>
    %get3A_14 = arith.constant 0 : index
    %get3A_15 = arith.constant 0 : index
    %get3A_16 = vector.load %arg5[%get3A_14, %get3A_15] : memref<64x64xf32, #tpu.memory_space<vmem>>, vector<64x64xf32>
    %dot_general3A_17 = arith.constant dense<0.000000e+00> : vector<1024x64xf32>
    %dot_general3A_18 = tpu.matmul %max3A_13, %get3A_16, %dot_general3A_17 {dimension_numbers = #tpu.dot_dimension_numbers<[1], [1], [0], [0], [0, 0, 1, 0], [], []>, transpose_lhs_hint = false} : vector<1024x64xf32>, vector<64x64xf32>, vector<1024x64xf32> -> vector<1024x64xf32>
    %get3A_19 = arith.constant 0 : index
    %get3A_20 = arith.constant 0 : index
    %get3A_21 = vector.load %arg6[%get3A_19, %get3A_20] : memref<1x64xf32, #tpu.memory_space<vmem>>, vector<1x64xf32>
    %add3A_22 = vector.broadcast %get3A_21 : vector<1x64xf32> to vector<1024x64xf32>
    %add3A_23 = arith.addf %dot_general3A_18, %add3A_22 : vector<1024x64xf32>
    %max3A_24 = arith.constant 0.000000e+00 : f32
    %max3A_25 = vector.broadcast %max3A_24 : f32 to vector<1024x64xf32>
    %max3A_26 = arith.maximumf %add3A_23, %max3A_25 : vector<1024x64xf32>
    %get3A_27 = arith.constant 0 : index
    %get3A_28 = arith.constant 0 : index
    %get3A_29 = vector.load %arg7[%get3A_27, %get3A_28] : memref<128x64xf32, #tpu.memory_space<vmem>>, vector<128x64xf32>
    %dot_general3A_30 = arith.constant dense<0.000000e+00> : vector<1024x128xf32>
    %dot_general3A_31 = tpu.matmul %max3A_26, %get3A_29, %dot_general3A_30 {dimension_numbers = #tpu.dot_dimension_numbers<[1], [1], [0], [0], [0, 0, 1, 0], [], []>, transpose_lhs_hint = false} : vector<1024x64xf32>, vector<128x64xf32>, vector<1024x128xf32> -> vector<1024x128xf32>
    %get3A_32 = arith.constant 0 : index
    %get3A_33 = arith.constant 0 : index
    %get3A_34 = vector.load %arg8[%get3A_32, %get3A_33] : memref<1x128xf32, #tpu.memory_space<vmem>>, vector<1x128xf32>
    %add3A_35 = vector.broadcast %get3A_34 : vector<1x128xf32> to vector<1024x128xf32>
    %add3A_36 = arith.addf %dot_general3A_31, %add3A_35 : vector<1024x128xf32>
    %max3A_37 = arith.constant 0.000000e+00 : f32
    %max3A_38 = vector.broadcast %max3A_37 : f32 to vector<1024x128xf32>
    %max3A_39 = arith.maximumf %add3A_36, %max3A_38 : vector<1024x128xf32>
    %reshape3A = vector.shape_cast %max3A_39 : vector<1024x128xf32> to vector<16x64x128xf32>
    %reduce_max3A = arith.constant dense<0xFF800000> : vector<16x128xf32>
    %reduce_max3A_40 = vector.multi_reduction <maximumf>, %reshape3A, %reduce_max3A [1] : vector<16x64x128xf32> to vector<16x128xf32>
    %swap3A = arith.constant 0 : index
    %swap3A_41 = arith.constant 0 : index
    %swap3A_42 = arith.constant 0 : index
    %swap3A_43 = vector.load %arg9[%swap3A, %swap3A_41, %swap3A_42] : memref<1x16x128xf32, #tpu.memory_space<vmem>>, vector<1x16x128xf32>
    %swap3A_44 = vector.shape_cast %swap3A_43 : vector<1x16x128xf32> to vector<16x128xf32>
    %swap3A_45 = vector.shape_cast %reduce_max3A_40 : vector<16x128xf32> to vector<1x16x128xf32>
    tpu.vector_store %arg9[%swap3A, %swap3A_41, %swap3A_42], %swap3A_45 {strides = array<i32>} : memref<1x16x128xf32, #tpu.memory_space<vmem>>, vector<1x16x128xf32>,
    return
  }
  func.func @transform_0(%arg0: i32, %arg1: i32) -> (i32, i32, i32) {
    %c0_i32 = arith.constant 0 : i32
    %c0_i32_0 = arith.constant 0 : i32
    return %arg0, %arg1, %c0_i32 : i32, i32, i32
  }
  func.func @transform_1(%arg0: i32, %arg1: i32) -> (i32, i32) {
    %c0_i32 = arith.constant 0 : i32
    %c0_i32_0 = arith.constant 0 : i32
    %c0_i32_1 = arith.constant 0 : i32
    return %c0_i32, %c0_i32_0 : i32, i32
  }
  func.func @transform_2(%arg0: i32, %arg1: i32) -> (i32, i32) {
    %c0_i32 = arith.constant 0 : i32
    %c0_i32_0 = arith.constant 0 : i32
    %c0_i32_1 = arith.constant 0 : i32
    return %c0_i32, %c0_i32_0 : i32, i32
  }
  func.func @transform_3(%arg0: i32, %arg1: i32) -> (i32, i32) {
    %c0_i32 = arith.constant 0 : i32
    %c0_i32_0 = arith.constant 0 : i32
    %c0_i32_1 = arith.constant 0 : i32
    return %c0_i32, %c0_i32_0 : i32, i32
  }
  func.func @transform_4(%arg0: i32, %arg1: i32) -> (i32, i32) {
    %c0_i32 = arith.constant 0 : i32
    %c0_i32_0 = arith.constant 0 : i32
    %c0_i32_1 = arith.constant 0 : i32
    return %c0_i32, %c0_i32_0 : i32, i32
  }
  func.func @transform_5(%arg0: i32, %arg1: i32) -> (i32, i32) {
    %c0_i32 = arith.constant 0 : i32
    %c0_i32_0 = arith.constant 0 : i32
    %c0_i32_1 = arith.constant 0 : i32
    return %c0_i32, %c0_i32_0 : i32, i32
  }
  func.func @transform_6(%arg0: i32, %arg1: i32) -> (i32, i32) {
    %c0_i32 = arith.constant 0 : i32
    %c0_i32_0 = arith.constant 0 : i32
    %c0_i32_1 = arith.constant 0 : i32
    return %c0_i32, %c0_i32_0 : i32, i32
  }
  func.func @transform_7(%arg0: i32, %arg1: i32) -> (i32, i32, i32) {
    %c0_i32 = arith.constant 0 : i32
    %c0_i32_0 = arith.constant 0 : i32
    return %arg0, %arg1, %c0_i32 : i32, i32, i32
  }
}

module attributes {stable_mosaic.version = 14 : i64} {
  func.func @_sa_body(%arg0: i32, %arg1: i32, %arg2: memref<1x3x512xf32, #tpu.memory_space<vmem>>, %arg3: memref<1x512x3xf32, #tpu.memory_space<vmem>>, %arg4: memref<1x512x128xf32, #tpu.memory_space<vmem>>, %arg5: memref<1x16x3xf32, #tpu.memory_space<vmem>>, %arg6: memref<128x131xf32, #tpu.memory_space<vmem>>, %arg7: memref<1x128xf32, #tpu.memory_space<vmem>>, %arg8: memref<128x128xf32, #tpu.memory_space<vmem>>, %arg9: memref<1x128xf32, #tpu.memory_space<vmem>>, %arg10: memref<256x128xf32, #tpu.memory_space<vmem>>, %arg11: memref<1x256xf32, #tpu.memory_space<vmem>>, %arg12: memref<1x16x256xf32, #tpu.memory_space<vmem>>) attributes {dimension_semantics = [#tpu.dimension_semantics<arbitrary>, #tpu.dimension_semantics<arbitrary>], iteration_bounds = array<i64: 16, 8>, scalar_prefetch = 0 : i64, scratch_operands = 0 : i64, tpu.core_type = #tpu.core_type<tc>, window_params = [{transform_indices = @transform_0, window_bounds = array<i64: 1, 3, 512>}, {transform_indices = @transform_1, window_bounds = array<i64: 1, 512, 3>}, {transform_indices = @transform_2, window_bounds = array<i64: 1, 512, 128>}, {transform_indices = @transform_3, window_bounds = array<i64: 1, 16, 3>}, {pipeline_mode = #tpu.pipeline_mode<synchronous>, transform_indices = @transform_4, window_bounds = array<i64: 128, 131>}, {pipeline_mode = #tpu.pipeline_mode<synchronous>, transform_indices = @transform_5, window_bounds = array<i64: 1, 128>}, {pipeline_mode = #tpu.pipeline_mode<synchronous>, transform_indices = @transform_6, window_bounds = array<i64: 128, 128>}, {pipeline_mode = #tpu.pipeline_mode<synchronous>, transform_indices = @transform_7, window_bounds = array<i64: 1, 128>}, {pipeline_mode = #tpu.pipeline_mode<synchronous>, transform_indices = @transform_8, window_bounds = array<i64: 256, 128>}, {pipeline_mode = #tpu.pipeline_mode<synchronous>, transform_indices = @transform_9, window_bounds = array<i64: 1, 256>}, {transform_indices = @transform_10, window_bounds = array<i64: 1, 16, 256>}]} {
    %get3A = arith.constant 0 : index
    %get3A_0 = arith.constant 0 : index
    %get3A_1 = arith.constant 0 : index
    %get3A_2 = vector.load %arg2[%get3A, %get3A_0, %get3A_1] : memref<1x3x512xf32, #tpu.memory_space<vmem>>, vector<1x3x512xf32>
    %get3A_3 = vector.shape_cast %get3A_2 : vector<1x3x512xf32> to vector<3x512xf32>
    %get3A_4 = arith.constant 0 : index
    %get3A_5 = arith.constant 0 : index
    %get3A_6 = arith.constant 0 : index
    %get3A_7 = vector.load %arg5[%get3A_4, %get3A_5, %get3A_6] : memref<1x16x3xf32, #tpu.memory_space<vmem>>, vector<1x16x3xf32>
    %get3A_8 = vector.shape_cast %get3A_7 : vector<1x16x3xf32> to vector<16x3xf32>
    %slice3A = vector.extract_strided_slice %get3A_8 {offsets = [0, 0], sizes = [16, 1], strides = [1, 1]} : vector<16x3xf32> to vector<16x1xf32>
    %slice3A_9 = vector.extract_strided_slice %get3A_3 {offsets = [0, 0], sizes = [1, 512], strides = [1, 1]} : vector<3x512xf32> to vector<1x512xf32>
    %sub3A = vector.broadcast %slice3A : vector<16x1xf32> to vector<16x512xf32>
    %sub3A_10 = vector.broadcast %slice3A_9 : vector<1x512xf32> to vector<16x512xf32>
    %sub3A_11 = arith.subf %sub3A, %sub3A_10 : vector<16x512xf32>
    %mul3A = arith.mulf %sub3A_11, %sub3A_11 : vector<16x512xf32>
    %slice3A_12 = vector.extract_strided_slice %get3A_8 {offsets = [0, 1], sizes = [16, 1], strides = [1, 1]} : vector<16x3xf32> to vector<16x1xf32>
    %slice3A_13 = vector.extract_strided_slice %get3A_3 {offsets = [1, 0], sizes = [1, 512], strides = [1, 1]} : vector<3x512xf32> to vector<1x512xf32>
    %sub3A_14 = vector.broadcast %slice3A_12 : vector<16x1xf32> to vector<16x512xf32>
    %sub3A_15 = vector.broadcast %slice3A_13 : vector<1x512xf32> to vector<16x512xf32>
    %sub3A_16 = arith.subf %sub3A_14, %sub3A_15 : vector<16x512xf32>
    %mul3A_17 = arith.mulf %sub3A_16, %sub3A_16 : vector<16x512xf32>
    %add3A = arith.addf %mul3A, %mul3A_17 : vector<16x512xf32>
    %slice3A_18 = vector.extract_strided_slice %get3A_8 {offsets = [0, 2], sizes = [16, 1], strides = [1, 1]} : vector<16x3xf32> to vector<16x1xf32>
    %slice3A_19 = vector.extract_strided_slice %get3A_3 {offsets = [2, 0], sizes = [1, 512], strides = [1, 1]} : vector<3x512xf32> to vector<1x512xf32>
    %sub3A_20 = vector.broadcast %slice3A_18 : vector<16x1xf32> to vector<16x512xf32>
    %sub3A_21 = vector.broadcast %slice3A_19 : vector<1x512xf32> to vector<16x512xf32>
    %sub3A_22 = arith.subf %sub3A_20, %sub3A_21 : vector<16x512xf32>
    %mul3A_23 = arith.mulf %sub3A_22, %sub3A_22 : vector<16x512xf32>
    %add3A_24 = arith.addf %add3A, %mul3A_23 : vector<16x512xf32>
    %le3A = arith.constant 1.600000e-01 : f32
    %le3A_25 = vector.broadcast %le3A : f32 to vector<16x512xf32>
    %le3A_26 = arith.cmpf ole, %add3A_24, %le3A_25 : vector<16x512xf32>
    %convert_element_type3A = arith.extui %le3A_26 : vector<16x512xi1> to vector<16x512xi32>
    %broadcast_in_dim3A = arith.constant 0 : i32
    %broadcast_in_dim3A_27 = vector.broadcast %broadcast_in_dim3A : i32 to vector<16x1xi32>
    %slice3A_28 = vector.extract_strided_slice %convert_element_type3A {offsets = [0, 0], sizes = [16, 511], strides = [1, 1]} : vector<16x512xi32> to vector<16x511xi32>
    %concatenate3A = tpu.concatenate %broadcast_in_dim3A_27, %slice3A_28 in 1 : vector<16x1xi32>, vector<16x511xi32> -> vector<16x512xi32>
    %add3A_29 = arith.addi %convert_element_type3A, %concatenate3A : vector<16x512xi32>
    %broadcast_in_dim3A_30 = arith.constant 0 : i32
    %broadcast_in_dim3A_31 = vector.broadcast %broadcast_in_dim3A_30 : i32 to vector<16x2xi32>
    %slice3A_32 = vector.extract_strided_slice %add3A_29 {offsets = [0, 0], sizes = [16, 510], strides = [1, 1]} : vector<16x512xi32> to vector<16x510xi32>
    %concatenate3A_33 = tpu.concatenate %broadcast_in_dim3A_31, %slice3A_32 in 1 : vector<16x2xi32>, vector<16x510xi32> -> vector<16x512xi32>
    %add3A_34 = arith.addi %add3A_29, %concatenate3A_33 : vector<16x512xi32>
    %broadcast_in_dim3A_35 = arith.constant 0 : i32
    %broadcast_in_dim3A_36 = vector.broadcast %broadcast_in_dim3A_35 : i32 to vector<16x4xi32>
    %slice3A_37 = vector.extract_strided_slice %add3A_34 {offsets = [0, 0], sizes = [16, 508], strides = [1, 1]} : vector<16x512xi32> to vector<16x508xi32>
    %concatenate3A_38 = tpu.concatenate %broadcast_in_dim3A_36, %slice3A_37 in 1 : vector<16x4xi32>, vector<16x508xi32> -> vector<16x512xi32>
    %add3A_39 = arith.addi %add3A_34, %concatenate3A_38 : vector<16x512xi32>
    %broadcast_in_dim3A_40 = arith.constant 0 : i32
    %broadcast_in_dim3A_41 = vector.broadcast %broadcast_in_dim3A_40 : i32 to vector<16x8xi32>
    %slice3A_42 = vector.extract_strided_slice %add3A_39 {offsets = [0, 0], sizes = [16, 504], strides = [1, 1]} : vector<16x512xi32> to vector<16x504xi32>
    %concatenate3A_43 = tpu.concatenate %broadcast_in_dim3A_41, %slice3A_42 in 1 : vector<16x8xi32>, vector<16x504xi32> -> vector<16x512xi32>
    %add3A_44 = arith.addi %add3A_39, %concatenate3A_43 : vector<16x512xi32>
    %broadcast_in_dim3A_45 = arith.constant 0 : i32
    %broadcast_in_dim3A_46 = vector.broadcast %broadcast_in_dim3A_45 : i32 to vector<16x16xi32>
    %slice3A_47 = vector.extract_strided_slice %add3A_44 {offsets = [0, 0], sizes = [16, 496], strides = [1, 1]} : vector<16x512xi32> to vector<16x496xi32>
    %concatenate3A_48 = tpu.concatenate %broadcast_in_dim3A_46, %slice3A_47 in 1 : vector<16x16xi32>, vector<16x496xi32> -> vector<16x512xi32>
    %add3A_49 = arith.addi %add3A_44, %concatenate3A_48 : vector<16x512xi32>
    %broadcast_in_dim3A_50 = arith.constant 0 : i32
    %broadcast_in_dim3A_51 = vector.broadcast %broadcast_in_dim3A_50 : i32 to vector<16x32xi32>
    %slice3A_52 = vector.extract_strided_slice %add3A_49 {offsets = [0, 0], sizes = [16, 480], strides = [1, 1]} : vector<16x512xi32> to vector<16x480xi32>
    %concatenate3A_53 = tpu.concatenate %broadcast_in_dim3A_51, %slice3A_52 in 1 : vector<16x32xi32>, vector<16x480xi32> -> vector<16x512xi32>
    %add3A_54 = arith.addi %add3A_49, %concatenate3A_53 : vector<16x512xi32>
    %broadcast_in_dim3A_55 = arith.constant 0 : i32
    %broadcast_in_dim3A_56 = vector.broadcast %broadcast_in_dim3A_55 : i32 to vector<16x64xi32>
    %slice3A_57 = vector.extract_strided_slice %add3A_54 {offsets = [0, 0], sizes = [16, 448], strides = [1, 1]} : vector<16x512xi32> to vector<16x448xi32>
    %concatenate3A_58 = tpu.concatenate %broadcast_in_dim3A_56, %slice3A_57 in 1 : vector<16x64xi32>, vector<16x448xi32> -> vector<16x512xi32>
    %add3A_59 = arith.addi %add3A_54, %concatenate3A_58 : vector<16x512xi32>
    %broadcast_in_dim3A_60 = arith.constant 0 : i32
    %broadcast_in_dim3A_61 = vector.broadcast %broadcast_in_dim3A_60 : i32 to vector<16x128xi32>
    %slice3A_62 = vector.extract_strided_slice %add3A_59 {offsets = [0, 0], sizes = [16, 384], strides = [1, 1]} : vector<16x512xi32> to vector<16x384xi32>
    %concatenate3A_63 = tpu.concatenate %broadcast_in_dim3A_61, %slice3A_62 in 1 : vector<16x128xi32>, vector<16x384xi32> -> vector<16x512xi32>
    %add3A_64 = arith.addi %add3A_59, %concatenate3A_63 : vector<16x512xi32>
    %broadcast_in_dim3A_65 = arith.constant 0 : i32
    %broadcast_in_dim3A_66 = vector.broadcast %broadcast_in_dim3A_65 : i32 to vector<16x256xi32>
    %slice3A_67 = vector.extract_strided_slice %add3A_64 {offsets = [0, 0], sizes = [16, 256], strides = [1, 1]} : vector<16x512xi32> to vector<16x256xi32>
    %concatenate3A_68 = tpu.concatenate %broadcast_in_dim3A_66, %slice3A_67 in 1 : vector<16x256xi32>, vector<16x256xi32> -> vector<16x512xi32>
    %add3A_69 = arith.addi %add3A_64, %concatenate3A_68 : vector<16x512xi32>
    %sub3A_70 = arith.constant 1 : i32
    %sub3A_71 = vector.broadcast %sub3A_70 : i32 to vector<16x512xi32>
    %sub3A_72 = arith.subi %add3A_69, %sub3A_71 : vector<16x512xi32>
    %jit3A = arith.constant -1 : i32
    %broadcast_in_dim3A_73 = vector.broadcast %jit3A : i32 to vector<16x512xi32>
    %select_n3A = arith.select %le3A_26, %sub3A_72, %broadcast_in_dim3A_73 : vector<16x512xi1>, vector<16x512xi32>
    %slice3A_74 = vector.extract_strided_slice %add3A_69 {offsets = [0, 511], sizes = [16, 1], strides = [1, 1]} : vector<16x512xi32> to vector<16x1xi32>
    %iota3A = tpu.iota {dimensions = array<i32: 1>} : vector<16x64x512xi32>
    %broadcast_in_dim3A_75 = vector.shape_cast %select_n3A : vector<16x512xi32> to vector<16x1x512xi32>
    %eq3A = vector.broadcast %broadcast_in_dim3A_75 : vector<16x1x512xi32> to vector<16x64x512xi32>
    %eq3A_76 = arith.cmpi eq, %eq3A, %iota3A : vector<16x64x512xi32>
    %convert_element_type3A_77 = arith.extui %eq3A_76 : vector<16x64x512xi1> to vector<16x64x512xi32>
    %convert_element_type3A_78 = arith.sitofp %convert_element_type3A_77 : vector<16x64x512xi32> to vector<16x64x512xf32>
    %get3A_79 = arith.constant 0 : index
    %get3A_80 = arith.constant 0 : index
    %get3A_81 = arith.constant 0 : index
    %get3A_82 = vector.load %arg3[%get3A_79, %get3A_80, %get3A_81] : memref<1x512x3xf32, #tpu.memory_space<vmem>>, vector<1x512x3xf32>
    %get3A_83 = vector.shape_cast %get3A_82 : vector<1x512x3xf32> to vector<512x3xf32>
    %get3A_84 = arith.constant 0 : index
    %get3A_85 = arith.constant 0 : index
    %get3A_86 = arith.constant 0 : index
    %get3A_87 = vector.load %arg4[%get3A_84, %get3A_85, %get3A_86] : memref<1x512x128xf32, #tpu.memory_space<vmem>>, vector<1x512x128xf32>
    %get3A_88 = vector.shape_cast %get3A_87 : vector<1x512x128xf32> to vector<512x128xf32>
    %concatenate3A_89 = tpu.concatenate %get3A_83, %get3A_88 in 1 : vector<512x3xf32>, vector<512x128xf32> -> vector<512x131xf32>
    %reshape3A = vector.shape_cast %convert_element_type3A_78 : vector<16x64x512xf32> to vector<1024x512xf32>
    %dot_general3A = arith.constant dense<0.000000e+00> : vector<1024x131xf32>
    %dot_general3A_90 = tpu.matmul %reshape3A, %concatenate3A_89, %dot_general3A {dimension_numbers = #tpu.dot_dimension_numbers<[1], [0], [0], [1], [0, 0, 1, 1], [], []>, transpose_lhs_hint = false} : vector<1024x512xf32>, vector<512x131xf32>, vector<1024x131xf32> -> vector<1024x131xf32>
    %reshape3A_91 = vector.shape_cast %dot_general3A_90 : vector<1024x131xf32> to vector<16x64x131xf32>
    %iota3A_92 = tpu.iota {dimensions = array<i32: 1>} : vector<16x64x1xi32>
    %broadcast_in_dim3A_93 = vector.shape_cast %slice3A_74 : vector<16x1xi32> to vector<16x1x1xi32>
    %lt3A = vector.broadcast %broadcast_in_dim3A_93 : vector<16x1x1xi32> to vector<16x64x1xi32>
    %lt3A_94 = arith.cmpi slt, %iota3A_92, %lt3A : vector<16x64x1xi32>
    %slice3A_95 = vector.extract_strided_slice %reshape3A_91 {offsets = [0, 0, 0], sizes = [16, 1, 131], strides = [1, 1, 1]} : vector<16x64x131xf32> to vector<16x1x131xf32>
    %broadcast_in_dim3A_96 = vector.shape_cast %lt3A_94 : vector<16x64x1xi1> to vector<16x64x1xi1>
    %broadcast_in_dim3A_97 = vector.broadcast %broadcast_in_dim3A_96 : vector<16x64x1xi1> to vector<16x64x131xi1>
    %broadcast_in_dim3A_98 = vector.shape_cast %slice3A_95 : vector<16x1x131xf32> to vector<16x1x131xf32>
    %broadcast_in_dim3A_99 = vector.broadcast %broadcast_in_dim3A_98 : vector<16x1x131xf32> to vector<16x64x131xf32>
    %select_n3A_100 = arith.select %broadcast_in_dim3A_97, %reshape3A_91, %broadcast_in_dim3A_99 : vector<16x64x131xi1>, vector<16x64x131xf32>
    %broadcast_in_dim3A_101 = arith.constant 0.000000e+00 : f32
    %broadcast_in_dim3A_102 = vector.broadcast %broadcast_in_dim3A_101 : f32 to vector<16x128xf32>
    %concatenate3A_103 = tpu.concatenate %get3A_8, %broadcast_in_dim3A_102 in 1 : vector<16x3xf32>, vector<16x128xf32> -> vector<16x131xf32>
    %broadcast_in_dim3A_104 = vector.shape_cast %concatenate3A_103 : vector<16x131xf32> to vector<16x1x131xf32>
    %sub3A_105 = vector.broadcast %broadcast_in_dim3A_104 : vector<16x1x131xf32> to vector<16x64x131xf32>
    %sub3A_106 = arith.subf %select_n3A_100, %sub3A_105 : vector<16x64x131xf32>
    %reshape3A_107 = vector.shape_cast %sub3A_106 : vector<16x64x131xf32> to vector<1024x131xf32>
    %get3A_108 = arith.constant 0 : index
    %get3A_109 = arith.constant 0 : index
    %get3A_110 = vector.load %arg6[%get3A_108, %get3A_109] : memref<128x131xf32, #tpu.memory_space<vmem>>, vector<128x131xf32>
    %dot_general3A_111 = arith.constant dense<0.000000e+00> : vector<1024x128xf32>
    %dot_general3A_112 = tpu.matmul %reshape3A_107, %get3A_110, %dot_general3A_111 {dimension_numbers = #tpu.dot_dimension_numbers<[1], [1], [0], [0], [0, 0, 1, 0], [], []>, transpose_lhs_hint = false} : vector<1024x131xf32>, vector<128x131xf32>, vector<1024x128xf32> -> vector<1024x128xf32>
    %get3A_113 = arith.constant 0 : index
    %get3A_114 = arith.constant 0 : index
    %get3A_115 = vector.load %arg7[%get3A_113, %get3A_114] : memref<1x128xf32, #tpu.memory_space<vmem>>, vector<1x128xf32>
    %add3A_116 = vector.broadcast %get3A_115 : vector<1x128xf32> to vector<1024x128xf32>
    %add3A_117 = arith.addf %dot_general3A_112, %add3A_116 : vector<1024x128xf32>
    %max3A = arith.constant 0.000000e+00 : f32
    %max3A_118 = vector.broadcast %max3A : f32 to vector<1024x128xf32>
    %max3A_119 = arith.maximumf %add3A_117, %max3A_118 : vector<1024x128xf32>
    %get3A_120 = arith.constant 0 : index
    %get3A_121 = arith.constant 0 : index
    %get3A_122 = vector.load %arg8[%get3A_120, %get3A_121] : memref<128x128xf32, #tpu.memory_space<vmem>>, vector<128x128xf32>
    %dot_general3A_123 = arith.constant dense<0.000000e+00> : vector<1024x128xf32>
    %dot_general3A_124 = tpu.matmul %max3A_119, %get3A_122, %dot_general3A_123 {dimension_numbers = #tpu.dot_dimension_numbers<[1], [1], [0], [0], [0, 0, 1, 0], [], []>, transpose_lhs_hint = false} : vector<1024x128xf32>, vector<128x128xf32>, vector<1024x128xf32> -> vector<1024x128xf32>
    %get3A_125 = arith.constant 0 : index
    %get3A_126 = arith.constant 0 : index
    %get3A_127 = vector.load %arg9[%get3A_125, %get3A_126] : memref<1x128xf32, #tpu.memory_space<vmem>>, vector<1x128xf32>
    %add3A_128 = vector.broadcast %get3A_127 : vector<1x128xf32> to vector<1024x128xf32>
    %add3A_129 = arith.addf %dot_general3A_124, %add3A_128 : vector<1024x128xf32>
    %max3A_130 = arith.constant 0.000000e+00 : f32
    %max3A_131 = vector.broadcast %max3A_130 : f32 to vector<1024x128xf32>
    %max3A_132 = arith.maximumf %add3A_129, %max3A_131 : vector<1024x128xf32>
    %get3A_133 = arith.constant 0 : index
    %get3A_134 = arith.constant 0 : index
    %get3A_135 = vector.load %arg10[%get3A_133, %get3A_134] : memref<256x128xf32, #tpu.memory_space<vmem>>, vector<256x128xf32>
    %dot_general3A_136 = arith.constant dense<0.000000e+00> : vector<1024x256xf32>
    %dot_general3A_137 = tpu.matmul %max3A_132, %get3A_135, %dot_general3A_136 {dimension_numbers = #tpu.dot_dimension_numbers<[1], [1], [0], [0], [0, 0, 1, 0], [], []>, transpose_lhs_hint = false} : vector<1024x128xf32>, vector<256x128xf32>, vector<1024x256xf32> -> vector<1024x256xf32>
    %get3A_138 = arith.constant 0 : index
    %get3A_139 = arith.constant 0 : index
    %get3A_140 = vector.load %arg11[%get3A_138, %get3A_139] : memref<1x256xf32, #tpu.memory_space<vmem>>, vector<1x256xf32>
    %add3A_141 = vector.broadcast %get3A_140 : vector<1x256xf32> to vector<1024x256xf32>
    %add3A_142 = arith.addf %dot_general3A_137, %add3A_141 : vector<1024x256xf32>
    %max3A_143 = arith.constant 0.000000e+00 : f32
    %max3A_144 = vector.broadcast %max3A_143 : f32 to vector<1024x256xf32>
    %max3A_145 = arith.maximumf %add3A_142, %max3A_144 : vector<1024x256xf32>
    %reshape3A_146 = vector.shape_cast %max3A_145 : vector<1024x256xf32> to vector<16x64x256xf32>
    %reduce_max3A = arith.constant dense<0xFF800000> : vector<16x256xf32>
    %reduce_max3A_147 = vector.multi_reduction <maximumf>, %reshape3A_146, %reduce_max3A [1] : vector<16x64x256xf32> to vector<16x256xf32>
    %swap3A = arith.constant 0 : index
    %swap3A_148 = arith.constant 0 : index
    %swap3A_149 = arith.constant 0 : index
    %swap3A_150 = vector.load %arg12[%swap3A, %swap3A_148, %swap3A_149] : memref<1x16x256xf32, #tpu.memory_space<vmem>>, vector<1x16x256xf32>
    %swap3A_151 = vector.shape_cast %swap3A_150 : vector<1x16x256xf32> to vector<16x256xf32>
    %swap3A_152 = vector.shape_cast %reduce_max3A_147 : vector<16x256xf32> to vector<1x16x256xf32>
    tpu.vector_store %arg12[%swap3A, %swap3A_148, %swap3A_149], %swap3A_152 {strides = array<i32>} : memref<1x16x256xf32, #tpu.memory_space<vmem>>, vector<1x16x256xf32>,
    return
  }
  func.func @transform_0(%arg0: i32, %arg1: i32) -> (i32, i32, i32) {
    %c0_i32 = arith.constant 0 : i32
    %c0_i32_0 = arith.constant 0 : i32
    %c0_i32_1 = arith.constant 0 : i32
    return %arg0, %c0_i32, %c0_i32_0 : i32, i32, i32
  }
  func.func @transform_1(%arg0: i32, %arg1: i32) -> (i32, i32, i32) {
    %c0_i32 = arith.constant 0 : i32
    %c0_i32_0 = arith.constant 0 : i32
    %c0_i32_1 = arith.constant 0 : i32
    return %arg0, %c0_i32, %c0_i32_0 : i32, i32, i32
  }
  func.func @transform_2(%arg0: i32, %arg1: i32) -> (i32, i32, i32) {
    %c0_i32 = arith.constant 0 : i32
    %c0_i32_0 = arith.constant 0 : i32
    %c0_i32_1 = arith.constant 0 : i32
    return %arg0, %c0_i32, %c0_i32_0 : i32, i32, i32
  }
  func.func @transform_3(%arg0: i32, %arg1: i32) -> (i32, i32, i32) {
    %c0_i32 = arith.constant 0 : i32
    %c0_i32_0 = arith.constant 0 : i32
    return %arg0, %arg1, %c0_i32 : i32, i32, i32
  }
  func.func @transform_4(%arg0: i32, %arg1: i32) -> (i32, i32) {
    %c0_i32 = arith.constant 0 : i32
    %c0_i32_0 = arith.constant 0 : i32
    %c0_i32_1 = arith.constant 0 : i32
    return %c0_i32, %c0_i32_0 : i32, i32
  }
  func.func @transform_5(%arg0: i32, %arg1: i32) -> (i32, i32) {
    %c0_i32 = arith.constant 0 : i32
    %c0_i32_0 = arith.constant 0 : i32
    %c0_i32_1 = arith.constant 0 : i32
    return %c0_i32, %c0_i32_0 : i32, i32
  }
  func.func @transform_6(%arg0: i32, %arg1: i32) -> (i32, i32) {
    %c0_i32 = arith.constant 0 : i32
    %c0_i32_0 = arith.constant 0 : i32
    %c0_i32_1 = arith.constant 0 : i32
    return %c0_i32, %c0_i32_0 : i32, i32
  }
  func.func @transform_7(%arg0: i32, %arg1: i32) -> (i32, i32) {
    %c0_i32 = arith.constant 0 : i32
    %c0_i32_0 = arith.constant 0 : i32
    %c0_i32_1 = arith.constant 0 : i32
    return %c0_i32, %c0_i32_0 : i32, i32
  }
  func.func @transform_8(%arg0: i32, %arg1: i32) -> (i32, i32) {
    %c0_i32 = arith.constant 0 : i32
    %c0_i32_0 = arith.constant 0 : i32
    %c0_i32_1 = arith.constant 0 : i32
    return %c0_i32, %c0_i32_0 : i32, i32
  }
  func.func @transform_9(%arg0: i32, %arg1: i32) -> (i32, i32) {
    %c0_i32 = arith.constant 0 : i32
    %c0_i32_0 = arith.constant 0 : i32
    %c0_i32_1 = arith.constant 0 : i32
    return %c0_i32, %c0_i32_0 : i32, i32
  }
  func.func @transform_10(%arg0: i32, %arg1: i32) -> (i32, i32, i32) {
    %c0_i32 = arith.constant 0 : i32
    %c0_i32_0 = arith.constant 0 : i32
    return %arg0, %arg1, %c0_i32 : i32, i32, i32
  }
}

module attributes {stable_mosaic.version = 14 : i64} {
  func.func @_gsa_fp1_body(%arg0: i32, %arg1: memref<1x128x3xf32, #tpu.memory_space<vmem>>, %arg2: memref<1x128x256xf32, #tpu.memory_space<vmem>>, %arg3: memref<256x3xf32, #tpu.memory_space<vmem>>, %arg4: memref<256x256xf32, #tpu.memory_space<vmem>>, %arg5: memref<1x256xf32, #tpu.memory_space<vmem>>, %arg6: memref<512x256xf32, #tpu.memory_space<vmem>>, %arg7: memref<1x512xf32, #tpu.memory_space<vmem>>, %arg8: memref<1024x512xf32, #tpu.memory_space<vmem>>, %arg9: memref<1x1024xf32, #tpu.memory_space<vmem>>, %arg10: memref<256x256xf32, #tpu.memory_space<vmem>>, %arg11: memref<256x1024xf32, #tpu.memory_space<vmem>>, %arg12: memref<1x256xf32, #tpu.memory_space<vmem>>, %arg13: memref<256x256xf32, #tpu.memory_space<vmem>>, %arg14: memref<1x256xf32, #tpu.memory_space<vmem>>, %arg15: memref<1x128x256xf32, #tpu.memory_space<vmem>>) attributes {dimension_semantics = [#tpu.dimension_semantics<arbitrary>], iteration_bounds = array<i64: 16>, scalar_prefetch = 0 : i64, scratch_operands = 0 : i64, tpu.core_type = #tpu.core_type<tc>, window_params = [{transform_indices = @transform_0, window_bounds = array<i64: 1, 128, 3>}, {transform_indices = @transform_1, window_bounds = array<i64: 1, 128, 256>}, {pipeline_mode = #tpu.pipeline_mode<synchronous>, transform_indices = @transform_2, window_bounds = array<i64: 256, 3>}, {pipeline_mode = #tpu.pipeline_mode<synchronous>, transform_indices = @transform_3, window_bounds = array<i64: 256, 256>}, {pipeline_mode = #tpu.pipeline_mode<synchronous>, transform_indices = @transform_4, window_bounds = array<i64: 1, 256>}, {pipeline_mode = #tpu.pipeline_mode<synchronous>, transform_indices = @transform_5, window_bounds = array<i64: 512, 256>}, {pipeline_mode = #tpu.pipeline_mode<synchronous>, transform_indices = @transform_6, window_bounds = array<i64: 1, 512>}, {pipeline_mode = #tpu.pipeline_mode<synchronous>, transform_indices = @transform_7, window_bounds = array<i64: 1024, 512>}, {pipeline_mode = #tpu.pipeline_mode<synchronous>, transform_indices = @transform_8, window_bounds = array<i64: 1, 1024>}, {pipeline_mode = #tpu.pipeline_mode<synchronous>, transform_indices = @transform_9, window_bounds = array<i64: 256, 256>}, {pipeline_mode = #tpu.pipeline_mode<synchronous>, transform_indices = @transform_10, window_bounds = array<i64: 256, 1024>}, {pipeline_mode = #tpu.pipeline_mode<synchronous>, transform_indices = @transform_11, window_bounds = array<i64: 1, 256>}, {pipeline_mode = #tpu.pipeline_mode<synchronous>, transform_indices = @transform_12, window_bounds = array<i64: 256, 256>}, {pipeline_mode = #tpu.pipeline_mode<synchronous>, transform_indices = @transform_13, window_bounds = array<i64: 1, 256>}, {transform_indices = @transform_14, window_bounds = array<i64: 1, 128, 256>}]} {
    %get3A = arith.constant 0 : index
    %get3A_0 = arith.constant 0 : index
    %get3A_1 = arith.constant 0 : index
    %get3A_2 = vector.load %arg2[%get3A, %get3A_0, %get3A_1] : memref<1x128x256xf32, #tpu.memory_space<vmem>>, vector<1x128x256xf32>
    %get3A_3 = vector.shape_cast %get3A_2 : vector<1x128x256xf32> to vector<128x256xf32>
    %get3A_4 = arith.constant 0 : index
    %get3A_5 = arith.constant 0 : index
    %get3A_6 = arith.constant 0 : index
    %get3A_7 = vector.load %arg1[%get3A_4, %get3A_5, %get3A_6] : memref<1x128x3xf32, #tpu.memory_space<vmem>>, vector<1x128x3xf32>
    %get3A_8 = vector.shape_cast %get3A_7 : vector<1x128x3xf32> to vector<128x3xf32>
    %get3A_9 = arith.constant 0 : index
    %get3A_10 = arith.constant 0 : index
    %get3A_11 = vector.load %arg3[%get3A_9, %get3A_10] : memref<256x3xf32, #tpu.memory_space<vmem>>, vector<256x3xf32>
    %dot_general3A = arith.constant dense<0.000000e+00> : vector<128x256xf32>
    %dot_general3A_12 = tpu.matmul %get3A_8, %get3A_11, %dot_general3A {dimension_numbers = #tpu.dot_dimension_numbers<[1], [1], [0], [0], [0, 0, 1, 0], [], []>, transpose_lhs_hint = false} : vector<128x3xf32>, vector<256x3xf32>, vector<128x256xf32> -> vector<128x256xf32>
    %get3A_13 = arith.constant 0 : index
    %get3A_14 = arith.constant 0 : index
    %get3A_15 = vector.load %arg4[%get3A_13, %get3A_14] : memref<256x256xf32, #tpu.memory_space<vmem>>, vector<256x256xf32>
    %dot_general3A_16 = arith.constant dense<0.000000e+00> : vector<128x256xf32>
    %dot_general3A_17 = tpu.matmul %get3A_3, %get3A_15, %dot_general3A_16 {dimension_numbers = #tpu.dot_dimension_numbers<[1], [1], [0], [0], [0, 0, 1, 0], [], []>, transpose_lhs_hint = false} : vector<128x256xf32>, vector<256x256xf32>, vector<128x256xf32> -> vector<128x256xf32>
    %add3A = arith.addf %dot_general3A_12, %dot_general3A_17 : vector<128x256xf32>
    %get3A_18 = arith.constant 0 : index
    %get3A_19 = arith.constant 0 : index
    %get3A_20 = vector.load %arg5[%get3A_18, %get3A_19] : memref<1x256xf32, #tpu.memory_space<vmem>>, vector<1x256xf32>
    %add3A_21 = vector.broadcast %get3A_20 : vector<1x256xf32> to vector<128x256xf32>
    %add3A_22 = arith.addf %add3A, %add3A_21 : vector<128x256xf32>
    %max3A = arith.constant 0.000000e+00 : f32
    %max3A_23 = vector.broadcast %max3A : f32 to vector<128x256xf32>
    %max3A_24 = arith.maximumf %add3A_22, %max3A_23 : vector<128x256xf32>
    %get3A_25 = arith.constant 0 : index
    %get3A_26 = arith.constant 0 : index
    %get3A_27 = vector.load %arg6[%get3A_25, %get3A_26] : memref<512x256xf32, #tpu.memory_space<vmem>>, vector<512x256xf32>
    %dot_general3A_28 = arith.constant dense<0.000000e+00> : vector<128x512xf32>
    %dot_general3A_29 = tpu.matmul %max3A_24, %get3A_27, %dot_general3A_28 {dimension_numbers = #tpu.dot_dimension_numbers<[1], [1], [0], [0], [0, 0, 1, 0], [], []>, transpose_lhs_hint = false} : vector<128x256xf32>, vector<512x256xf32>, vector<128x512xf32> -> vector<128x512xf32>
    %get3A_30 = arith.constant 0 : index
    %get3A_31 = arith.constant 0 : index
    %get3A_32 = vector.load %arg7[%get3A_30, %get3A_31] : memref<1x512xf32, #tpu.memory_space<vmem>>, vector<1x512xf32>
    %add3A_33 = vector.broadcast %get3A_32 : vector<1x512xf32> to vector<128x512xf32>
    %add3A_34 = arith.addf %dot_general3A_29, %add3A_33 : vector<128x512xf32>
    %max3A_35 = arith.constant 0.000000e+00 : f32
    %max3A_36 = vector.broadcast %max3A_35 : f32 to vector<128x512xf32>
    %max3A_37 = arith.maximumf %add3A_34, %max3A_36 : vector<128x512xf32>
    %get3A_38 = arith.constant 0 : index
    %get3A_39 = arith.constant 0 : index
    %get3A_40 = vector.load %arg8[%get3A_38, %get3A_39] : memref<1024x512xf32, #tpu.memory_space<vmem>>, vector<1024x512xf32>
    %dot_general3A_41 = arith.constant dense<0.000000e+00> : vector<128x1024xf32>
    %dot_general3A_42 = tpu.matmul %max3A_37, %get3A_40, %dot_general3A_41 {dimension_numbers = #tpu.dot_dimension_numbers<[1], [1], [0], [0], [0, 0, 1, 0], [], []>, transpose_lhs_hint = false} : vector<128x512xf32>, vector<1024x512xf32>, vector<128x1024xf32> -> vector<128x1024xf32>
    %get3A_43 = arith.constant 0 : index
    %get3A_44 = arith.constant 0 : index
    %get3A_45 = vector.load %arg9[%get3A_43, %get3A_44] : memref<1x1024xf32, #tpu.memory_space<vmem>>, vector<1x1024xf32>
    %add3A_46 = vector.broadcast %get3A_45 : vector<1x1024xf32> to vector<128x1024xf32>
    %add3A_47 = arith.addf %dot_general3A_42, %add3A_46 : vector<128x1024xf32>
    %max3A_48 = arith.constant 0.000000e+00 : f32
    %max3A_49 = vector.broadcast %max3A_48 : f32 to vector<128x1024xf32>
    %max3A_50 = arith.maximumf %add3A_47, %max3A_49 : vector<128x1024xf32>
    %reduce_max3A = arith.constant dense<0xFF800000> : vector<1024xf32>
    %reduce_max3A_51 = vector.multi_reduction <maximumf>, %max3A_50, %reduce_max3A [0] : vector<128x1024xf32> to vector<1024xf32>
    %broadcast_in_dim3A = vector.shape_cast %reduce_max3A_51 : vector<1024xf32> to vector<1x1024xf32>
    %get3A_52 = arith.constant 0 : index
    %get3A_53 = arith.constant 0 : index
    %get3A_54 = vector.load %arg10[%get3A_52, %get3A_53] : memref<256x256xf32, #tpu.memory_space<vmem>>, vector<256x256xf32>
    %dot_general3A_55 = arith.constant dense<0.000000e+00> : vector<128x256xf32>
    %dot_general3A_56 = tpu.matmul %get3A_3, %get3A_54, %dot_general3A_55 {dimension_numbers = #tpu.dot_dimension_numbers<[1], [1], [0], [0], [0, 0, 1, 0], [], []>, transpose_lhs_hint = false} : vector<128x256xf32>, vector<256x256xf32>, vector<128x256xf32> -> vector<128x256xf32>
    %get3A_57 = arith.constant 0 : index
    %get3A_58 = arith.constant 0 : index
    %get3A_59 = vector.load %arg11[%get3A_57, %get3A_58] : memref<256x1024xf32, #tpu.memory_space<vmem>>, vector<256x1024xf32>
    %dot_general3A_60 = arith.constant dense<0.000000e+00> : vector<1x256xf32>
    %dot_general3A_61 = tpu.matmul %broadcast_in_dim3A, %get3A_59, %dot_general3A_60 {dimension_numbers = #tpu.dot_dimension_numbers<[1], [1], [0], [0], [0, 0, 1, 0], [], []>, transpose_lhs_hint = false} : vector<1x1024xf32>, vector<256x1024xf32>, vector<1x256xf32> -> vector<1x256xf32>
    %add3A_62 = vector.broadcast %dot_general3A_61 : vector<1x256xf32> to vector<128x256xf32>
    %add3A_63 = arith.addf %dot_general3A_56, %add3A_62 : vector<128x256xf32>
    %get3A_64 = arith.constant 0 : index
    %get3A_65 = arith.constant 0 : index
    %get3A_66 = vector.load %arg12[%get3A_64, %get3A_65] : memref<1x256xf32, #tpu.memory_space<vmem>>, vector<1x256xf32>
    %add3A_67 = vector.broadcast %get3A_66 : vector<1x256xf32> to vector<128x256xf32>
    %add3A_68 = arith.addf %add3A_63, %add3A_67 : vector<128x256xf32>
    %max3A_69 = arith.constant 0.000000e+00 : f32
    %max3A_70 = vector.broadcast %max3A_69 : f32 to vector<128x256xf32>
    %max3A_71 = arith.maximumf %add3A_68, %max3A_70 : vector<128x256xf32>
    %get3A_72 = arith.constant 0 : index
    %get3A_73 = arith.constant 0 : index
    %get3A_74 = vector.load %arg13[%get3A_72, %get3A_73] : memref<256x256xf32, #tpu.memory_space<vmem>>, vector<256x256xf32>
    %dot_general3A_75 = arith.constant dense<0.000000e+00> : vector<128x256xf32>
    %dot_general3A_76 = tpu.matmul %max3A_71, %get3A_74, %dot_general3A_75 {dimension_numbers = #tpu.dot_dimension_numbers<[1], [1], [0], [0], [0, 0, 1, 0], [], []>, transpose_lhs_hint = false} : vector<128x256xf32>, vector<256x256xf32>, vector<128x256xf32> -> vector<128x256xf32>
    %get3A_77 = arith.constant 0 : index
    %get3A_78 = arith.constant 0 : index
    %get3A_79 = vector.load %arg14[%get3A_77, %get3A_78] : memref<1x256xf32, #tpu.memory_space<vmem>>, vector<1x256xf32>
    %add3A_80 = vector.broadcast %get3A_79 : vector<1x256xf32> to vector<128x256xf32>
    %add3A_81 = arith.addf %dot_general3A_76, %add3A_80 : vector<128x256xf32>
    %max3A_82 = arith.constant 0.000000e+00 : f32
    %max3A_83 = vector.broadcast %max3A_82 : f32 to vector<128x256xf32>
    %max3A_84 = arith.maximumf %add3A_81, %max3A_83 : vector<128x256xf32>
    %swap3A = arith.constant 0 : index
    %swap3A_85 = arith.constant 0 : index
    %swap3A_86 = arith.constant 0 : index
    %swap3A_87 = vector.load %arg15[%swap3A, %swap3A_85, %swap3A_86] : memref<1x128x256xf32, #tpu.memory_space<vmem>>, vector<1x128x256xf32>
    %swap3A_88 = vector.shape_cast %swap3A_87 : vector<1x128x256xf32> to vector<128x256xf32>
    %swap3A_89 = vector.shape_cast %max3A_84 : vector<128x256xf32> to vector<1x128x256xf32>
    tpu.vector_store %arg15[%swap3A, %swap3A_85, %swap3A_86], %swap3A_89 {strides = array<i32>} : memref<1x128x256xf32, #tpu.memory_space<vmem>>, vector<1x128x256xf32>,
    return
  }
  func.func @transform_0(%arg0: i32) -> (i32, i32, i32) {
    %c0_i32 = arith.constant 0 : i32
    %c0_i32_0 = arith.constant 0 : i32
    %c0_i32_1 = arith.constant 0 : i32
    return %arg0, %c0_i32, %c0_i32_0 : i32, i32, i32
  }
  func.func @transform_1(%arg0: i32) -> (i32, i32, i32) {
    %c0_i32 = arith.constant 0 : i32
    %c0_i32_0 = arith.constant 0 : i32
    %c0_i32_1 = arith.constant 0 : i32
    return %arg0, %c0_i32, %c0_i32_0 : i32, i32, i32
  }
  func.func @transform_2(%arg0: i32) -> (i32, i32) {
    %c0_i32 = arith.constant 0 : i32
    %c0_i32_0 = arith.constant 0 : i32
    %c0_i32_1 = arith.constant 0 : i32
    return %c0_i32, %c0_i32_0 : i32, i32
  }
  func.func @transform_3(%arg0: i32) -> (i32, i32) {
    %c0_i32 = arith.constant 0 : i32
    %c0_i32_0 = arith.constant 0 : i32
    %c0_i32_1 = arith.constant 0 : i32
    return %c0_i32, %c0_i32_0 : i32, i32
  }
  func.func @transform_4(%arg0: i32) -> (i32, i32) {
    %c0_i32 = arith.constant 0 : i32
    %c0_i32_0 = arith.constant 0 : i32
    %c0_i32_1 = arith.constant 0 : i32
    return %c0_i32, %c0_i32_0 : i32, i32
  }
  func.func @transform_5(%arg0: i32) -> (i32, i32) {
    %c0_i32 = arith.constant 0 : i32
    %c0_i32_0 = arith.constant 0 : i32
    %c0_i32_1 = arith.constant 0 : i32
    return %c0_i32, %c0_i32_0 : i32, i32
  }
  func.func @transform_6(%arg0: i32) -> (i32, i32) {
    %c0_i32 = arith.constant 0 : i32
    %c0_i32_0 = arith.constant 0 : i32
    %c0_i32_1 = arith.constant 0 : i32
    return %c0_i32, %c0_i32_0 : i32, i32
  }
  func.func @transform_7(%arg0: i32) -> (i32, i32) {
    %c0_i32 = arith.constant 0 : i32
    %c0_i32_0 = arith.constant 0 : i32
    %c0_i32_1 = arith.constant 0 : i32
    return %c0_i32, %c0_i32_0 : i32, i32
  }
  func.func @transform_8(%arg0: i32) -> (i32, i32) {
    %c0_i32 = arith.constant 0 : i32
    %c0_i32_0 = arith.constant 0 : i32
    %c0_i32_1 = arith.constant 0 : i32
    return %c0_i32, %c0_i32_0 : i32, i32
  }
  func.func @transform_9(%arg0: i32) -> (i32, i32) {
    %c0_i32 = arith.constant 0 : i32
    %c0_i32_0 = arith.constant 0 : i32
    %c0_i32_1 = arith.constant 0 : i32
    return %c0_i32, %c0_i32_0 : i32, i32
  }
  func.func @transform_10(%arg0: i32) -> (i32, i32) {
    %c0_i32 = arith.constant 0 : i32
    %c0_i32_0 = arith.constant 0 : i32
    %c0_i32_1 = arith.constant 0 : i32
    return %c0_i32, %c0_i32_0 : i32, i32
  }
  func.func @transform_11(%arg0: i32) -> (i32, i32) {
    %c0_i32 = arith.constant 0 : i32
    %c0_i32_0 = arith.constant 0 : i32
    %c0_i32_1 = arith.constant 0 : i32
    return %c0_i32, %c0_i32_0 : i32, i32
  }
  func.func @transform_12(%arg0: i32) -> (i32, i32) {
    %c0_i32 = arith.constant 0 : i32
    %c0_i32_0 = arith.constant 0 : i32
    %c0_i32_1 = arith.constant 0 : i32
    return %c0_i32, %c0_i32_0 : i32, i32
  }
  func.func @transform_13(%arg0: i32) -> (i32, i32) {
    %c0_i32 = arith.constant 0 : i32
    %c0_i32_0 = arith.constant 0 : i32
    %c0_i32_1 = arith.constant 0 : i32
    return %c0_i32, %c0_i32_0 : i32, i32
  }
  func.func @transform_14(%arg0: i32) -> (i32, i32, i32) {
    %c0_i32 = arith.constant 0 : i32
    %c0_i32_0 = arith.constant 0 : i32
    %c0_i32_1 = arith.constant 0 : i32
    return %arg0, %c0_i32, %c0_i32_0 : i32, i32, i32
  }
}

module attributes {stable_mosaic.version = 14 : i64} {
  func.func @_fp2_body(%arg0: i32, %arg1: memref<1x512x3xf32, #tpu.memory_space<vmem>>, %arg2: memref<1x3x128xf32, #tpu.memory_space<vmem>>, %arg3: memref<1x512x128xf32, #tpu.memory_space<vmem>>, %arg4: memref<1x128x256xf32, #tpu.memory_space<vmem>>, %arg5: memref<256x128xf32, #tpu.memory_space<vmem>>, %arg6: memref<256x256xf32, #tpu.memory_space<vmem>>, %arg7: memref<1x256xf32, #tpu.memory_space<vmem>>, %arg8: memref<128x256xf32, #tpu.memory_space<vmem>>, %arg9: memref<1x128xf32, #tpu.memory_space<vmem>>, %arg10: memref<1x512x128xf32, #tpu.memory_space<vmem>>) attributes {dimension_semantics = [#tpu.dimension_semantics<arbitrary>], iteration_bounds = array<i64: 16>, scalar_prefetch = 0 : i64, scratch_operands = 0 : i64, tpu.core_type = #tpu.core_type<tc>, window_params = [{transform_indices = @transform_0, window_bounds = array<i64: 1, 512, 3>}, {transform_indices = @transform_1, window_bounds = array<i64: 1, 3, 128>}, {transform_indices = @transform_2, window_bounds = array<i64: 1, 512, 128>}, {transform_indices = @transform_3, window_bounds = array<i64: 1, 128, 256>}, {pipeline_mode = #tpu.pipeline_mode<synchronous>, transform_indices = @transform_4, window_bounds = array<i64: 256, 128>}, {pipeline_mode = #tpu.pipeline_mode<synchronous>, transform_indices = @transform_5, window_bounds = array<i64: 256, 256>}, {pipeline_mode = #tpu.pipeline_mode<synchronous>, transform_indices = @transform_6, window_bounds = array<i64: 1, 256>}, {pipeline_mode = #tpu.pipeline_mode<synchronous>, transform_indices = @transform_7, window_bounds = array<i64: 128, 256>}, {pipeline_mode = #tpu.pipeline_mode<synchronous>, transform_indices = @transform_8, window_bounds = array<i64: 1, 128>}, {transform_indices = @transform_9, window_bounds = array<i64: 1, 512, 128>}]} {
    %get3A = arith.constant 0 : index
    %get3A_0 = arith.constant 0 : index
    %get3A_1 = arith.constant 0 : index
    %get3A_2 = vector.load %arg1[%get3A, %get3A_0, %get3A_1] : memref<1x512x3xf32, #tpu.memory_space<vmem>>, vector<1x512x3xf32>
    %get3A_3 = vector.shape_cast %get3A_2 : vector<1x512x3xf32> to vector<512x3xf32>
    %get3A_4 = arith.constant 0 : index
    %get3A_5 = arith.constant 0 : index
    %get3A_6 = arith.constant 0 : index
    %get3A_7 = vector.load %arg2[%get3A_4, %get3A_5, %get3A_6] : memref<1x3x128xf32, #tpu.memory_space<vmem>>, vector<1x3x128xf32>
    %get3A_8 = vector.shape_cast %get3A_7 : vector<1x3x128xf32> to vector<3x128xf32>
    %get3A_9 = arith.constant 0 : index
    %get3A_10 = arith.constant 0 : index
    %get3A_11 = arith.constant 0 : index
    %get3A_12 = vector.load %arg4[%get3A_9, %get3A_10, %get3A_11] : memref<1x128x256xf32, #tpu.memory_space<vmem>>, vector<1x128x256xf32>
    %get3A_13 = vector.shape_cast %get3A_12 : vector<1x128x256xf32> to vector<128x256xf32>
    %slice3A = vector.extract_strided_slice %get3A_3 {offsets = [0, 0], sizes = [512, 1], strides = [1, 1]} : vector<512x3xf32> to vector<512x1xf32>
    %slice3A_14 = vector.extract_strided_slice %get3A_8 {offsets = [0, 0], sizes = [1, 128], strides = [1, 1]} : vector<3x128xf32> to vector<1x128xf32>
    %sub3A = vector.broadcast %slice3A : vector<512x1xf32> to vector<512x128xf32>
    %sub3A_15 = vector.broadcast %slice3A_14 : vector<1x128xf32> to vector<512x128xf32>
    %sub3A_16 = arith.subf %sub3A, %sub3A_15 : vector<512x128xf32>
    %mul3A = arith.mulf %sub3A_16, %sub3A_16 : vector<512x128xf32>
    %slice3A_17 = vector.extract_strided_slice %get3A_3 {offsets = [0, 1], sizes = [512, 1], strides = [1, 1]} : vector<512x3xf32> to vector<512x1xf32>
    %slice3A_18 = vector.extract_strided_slice %get3A_8 {offsets = [1, 0], sizes = [1, 128], strides = [1, 1]} : vector<3x128xf32> to vector<1x128xf32>
    %sub3A_19 = vector.broadcast %slice3A_17 : vector<512x1xf32> to vector<512x128xf32>
    %sub3A_20 = vector.broadcast %slice3A_18 : vector<1x128xf32> to vector<512x128xf32>
    %sub3A_21 = arith.subf %sub3A_19, %sub3A_20 : vector<512x128xf32>
    %mul3A_22 = arith.mulf %sub3A_21, %sub3A_21 : vector<512x128xf32>
    %add3A = arith.addf %mul3A, %mul3A_22 : vector<512x128xf32>
    %slice3A_23 = vector.extract_strided_slice %get3A_3 {offsets = [0, 2], sizes = [512, 1], strides = [1, 1]} : vector<512x3xf32> to vector<512x1xf32>
    %slice3A_24 = vector.extract_strided_slice %get3A_8 {offsets = [2, 0], sizes = [1, 128], strides = [1, 1]} : vector<3x128xf32> to vector<1x128xf32>
    %sub3A_25 = vector.broadcast %slice3A_23 : vector<512x1xf32> to vector<512x128xf32>
    %sub3A_26 = vector.broadcast %slice3A_24 : vector<1x128xf32> to vector<512x128xf32>
    %sub3A_27 = arith.subf %sub3A_25, %sub3A_26 : vector<512x128xf32>
    %mul3A_28 = arith.mulf %sub3A_27, %sub3A_27 : vector<512x128xf32>
    %add3A_29 = arith.addf %add3A, %mul3A_28 : vector<512x128xf32>
    %iota3A = tpu.iota {dimensions = array<i32: 1>} : vector<512x128xi32>
    %argmin3A = tpu.reduce_index %add3A_29 {axis = 1 : i32, kind = #tpu.reduction_kind<arg_min>} : vector<512x128xf32> -> vector<512xi32>
    %broadcast_in_dim3A = vector.shape_cast %argmin3A : vector<512xi32> to vector<512x1xi32>
    %reduce_min3A = arith.constant dense<0x7F800000> : vector<512xf32>
    %reduce_min3A_30 = vector.multi_reduction <minimumf>, %add3A_29, %reduce_min3A [1] : vector<512x128xf32> to vector<512xf32>
    %broadcast_in_dim3A_31 = vector.shape_cast %reduce_min3A_30 : vector<512xf32> to vector<512x1xf32>
    %eq3A = vector.broadcast %broadcast_in_dim3A : vector<512x1xi32> to vector<512x128xi32>
    %eq3A_32 = arith.cmpi eq, %iota3A, %eq3A : vector<512x128xi32>
    %jit3A = arith.constant 0x7F800000 : f32
    %broadcast_in_dim3A_33 = vector.broadcast %jit3A : f32 to vector<512x128xf32>
    %select_n3A = arith.select %eq3A_32, %broadcast_in_dim3A_33, %add3A_29 : vector<512x128xi1>, vector<512x128xf32>
    %argmin3A_34 = tpu.reduce_index %select_n3A {axis = 1 : i32, kind = #tpu.reduction_kind<arg_min>} : vector<512x128xf32> -> vector<512xi32>
    %broadcast_in_dim3A_35 = vector.shape_cast %argmin3A_34 : vector<512xi32> to vector<512x1xi32>
    %reduce_min3A_36 = arith.constant dense<0x7F800000> : vector<512xf32>
    %reduce_min3A_37 = vector.multi_reduction <minimumf>, %select_n3A, %reduce_min3A_36 [1] : vector<512x128xf32> to vector<512xf32>
    %broadcast_in_dim3A_38 = vector.shape_cast %reduce_min3A_37 : vector<512xf32> to vector<512x1xf32>
    %eq3A_39 = vector.broadcast %broadcast_in_dim3A_35 : vector<512x1xi32> to vector<512x128xi32>
    %eq3A_40 = arith.cmpi eq, %iota3A, %eq3A_39 : vector<512x128xi32>
    %jit3A_41 = arith.constant 0x7F800000 : f32
    %broadcast_in_dim3A_42 = vector.broadcast %jit3A_41 : f32 to vector<512x128xf32>
    %select_n3A_43 = arith.select %eq3A_40, %broadcast_in_dim3A_42, %select_n3A : vector<512x128xi1>, vector<512x128xf32>
    %argmin3A_44 = tpu.reduce_index %select_n3A_43 {axis = 1 : i32, kind = #tpu.reduction_kind<arg_min>} : vector<512x128xf32> -> vector<512xi32>
    %broadcast_in_dim3A_45 = vector.shape_cast %argmin3A_44 : vector<512xi32> to vector<512x1xi32>
    %reduce_min3A_46 = arith.constant dense<0x7F800000> : vector<512xf32>
    %reduce_min3A_47 = vector.multi_reduction <minimumf>, %select_n3A_43, %reduce_min3A_46 [1] : vector<512x128xf32> to vector<512xf32>
    %broadcast_in_dim3A_48 = vector.shape_cast %reduce_min3A_47 : vector<512xf32> to vector<512x1xf32>
    %add3A_49 = arith.constant 9.99999993E-9 : f32
    %add3A_50 = vector.broadcast %add3A_49 : f32 to vector<512x1xf32>
    %add3A_51 = arith.addf %broadcast_in_dim3A_31, %add3A_50 : vector<512x1xf32>
    %div3A = arith.constant 1.000000e+00 : f32
    %div3A_52 = vector.broadcast %div3A : f32 to vector<512x1xf32>
    %div3A_53 = arith.divf %div3A_52, %add3A_51 : vector<512x1xf32>
    %add3A_54 = arith.constant 9.99999993E-9 : f32
    %add3A_55 = vector.broadcast %add3A_54 : f32 to vector<512x1xf32>
    %add3A_56 = arith.addf %broadcast_in_dim3A_38, %add3A_55 : vector<512x1xf32>
    %div3A_57 = arith.constant 1.000000e+00 : f32
    %div3A_58 = vector.broadcast %div3A_57 : f32 to vector<512x1xf32>
    %div3A_59 = arith.divf %div3A_58, %add3A_56 : vector<512x1xf32>
    %add3A_60 = arith.constant 9.99999993E-9 : f32
    %add3A_61 = vector.broadcast %add3A_60 : f32 to vector<512x1xf32>
    %add3A_62 = arith.addf %broadcast_in_dim3A_48, %add3A_61 : vector<512x1xf32>
    %div3A_63 = arith.constant 1.000000e+00 : f32
    %div3A_64 = vector.broadcast %div3A_63 : f32 to vector<512x1xf32>
    %div3A_65 = arith.divf %div3A_64, %add3A_62 : vector<512x1xf32>
    %add3A_66 = arith.addf %div3A_53, %div3A_59 : vector<512x1xf32>
    %add3A_67 = arith.addf %add3A_66, %div3A_65 : vector<512x1xf32>
    %eq3A_68 = vector.broadcast %broadcast_in_dim3A : vector<512x1xi32> to vector<512x128xi32>
    %eq3A_69 = arith.cmpi eq, %iota3A, %eq3A_68 : vector<512x128xi32>
    %div3A_70 = arith.divf %div3A_53, %add3A_67 : vector<512x1xf32>
    %jit3A_71 = arith.constant 0.000000e+00 : f32
    %broadcast_in_dim3A_72 = vector.shape_cast %div3A_70 : vector<512x1xf32> to vector<512x1xf32>
    %broadcast_in_dim3A_73 = vector.broadcast %broadcast_in_dim3A_72 : vector<512x1xf32> to vector<512x128xf32>
    %broadcast_in_dim3A_74 = vector.broadcast %jit3A_71 : f32 to vector<512x128xf32>
    %select_n3A_75 = arith.select %eq3A_69, %broadcast_in_dim3A_73, %broadcast_in_dim3A_74 : vector<512x128xi1>, vector<512x128xf32>
    %eq3A_76 = vector.broadcast %broadcast_in_dim3A_35 : vector<512x1xi32> to vector<512x128xi32>
    %eq3A_77 = arith.cmpi eq, %iota3A, %eq3A_76 : vector<512x128xi32>
    %div3A_78 = arith.divf %div3A_59, %add3A_67 : vector<512x1xf32>
    %jit3A_79 = arith.constant 0.000000e+00 : f32
    %broadcast_in_dim3A_80 = vector.shape_cast %div3A_78 : vector<512x1xf32> to vector<512x1xf32>
    %broadcast_in_dim3A_81 = vector.broadcast %broadcast_in_dim3A_80 : vector<512x1xf32> to vector<512x128xf32>
    %broadcast_in_dim3A_82 = vector.broadcast %jit3A_79 : f32 to vector<512x128xf32>
    %select_n3A_83 = arith.select %eq3A_77, %broadcast_in_dim3A_81, %broadcast_in_dim3A_82 : vector<512x128xi1>, vector<512x128xf32>
    %add3A_84 = arith.addf %select_n3A_75, %select_n3A_83 : vector<512x128xf32>
    %eq3A_85 = vector.broadcast %broadcast_in_dim3A_45 : vector<512x1xi32> to vector<512x128xi32>
    %eq3A_86 = arith.cmpi eq, %iota3A, %eq3A_85 : vector<512x128xi32>
    %div3A_87 = arith.divf %div3A_65, %add3A_67 : vector<512x1xf32>
    %jit3A_88 = arith.constant 0.000000e+00 : f32
    %broadcast_in_dim3A_89 = vector.shape_cast %div3A_87 : vector<512x1xf32> to vector<512x1xf32>
    %broadcast_in_dim3A_90 = vector.broadcast %broadcast_in_dim3A_89 : vector<512x1xf32> to vector<512x128xf32>
    %broadcast_in_dim3A_91 = vector.broadcast %jit3A_88 : f32 to vector<512x128xf32>
    %select_n3A_92 = arith.select %eq3A_86, %broadcast_in_dim3A_90, %broadcast_in_dim3A_91 : vector<512x128xi1>, vector<512x128xf32>
    %add3A_93 = arith.addf %add3A_84, %select_n3A_92 : vector<512x128xf32>
    %dot_general3A = arith.constant dense<0.000000e+00> : vector<512x256xf32>
    %dot_general3A_94 = tpu.matmul %add3A_93, %get3A_13, %dot_general3A {dimension_numbers = #tpu.dot_dimension_numbers<[1], [0], [0], [1], [0, 0, 1, 1], [], []>, transpose_lhs_hint = false} : vector<512x128xf32>, vector<128x256xf32>, vector<512x256xf32> -> vector<512x256xf32>
    %get3A_95 = arith.constant 0 : index
    %get3A_96 = arith.constant 0 : index
    %get3A_97 = arith.constant 0 : index
    %get3A_98 = vector.load %arg3[%get3A_95, %get3A_96, %get3A_97] : memref<1x512x128xf32, #tpu.memory_space<vmem>>, vector<1x512x128xf32>
    %get3A_99 = vector.shape_cast %get3A_98 : vector<1x512x128xf32> to vector<512x128xf32>
    %get3A_100 = arith.constant 0 : index
    %get3A_101 = arith.constant 0 : index
    %get3A_102 = vector.load %arg5[%get3A_100, %get3A_101] : memref<256x128xf32, #tpu.memory_space<vmem>>, vector<256x128xf32>
    %dot_general3A_103 = arith.constant dense<0.000000e+00> : vector<512x256xf32>
    %dot_general3A_104 = tpu.matmul %get3A_99, %get3A_102, %dot_general3A_103 {dimension_numbers = #tpu.dot_dimension_numbers<[1], [1], [0], [0], [0, 0, 1, 0], [], []>, transpose_lhs_hint = false} : vector<512x128xf32>, vector<256x128xf32>, vector<512x256xf32> -> vector<512x256xf32>
    %get3A_105 = arith.constant 0 : index
    %get3A_106 = arith.constant 0 : index
    %get3A_107 = vector.load %arg6[%get3A_105, %get3A_106] : memref<256x256xf32, #tpu.memory_space<vmem>>, vector<256x256xf32>
    %dot_general3A_108 = arith.constant dense<0.000000e+00> : vector<512x256xf32>
    %dot_general3A_109 = tpu.matmul %dot_general3A_94, %get3A_107, %dot_general3A_108 {dimension_numbers = #tpu.dot_dimension_numbers<[1], [1], [0], [0], [0, 0, 1, 0], [], []>, transpose_lhs_hint = false} : vector<512x256xf32>, vector<256x256xf32>, vector<512x256xf32> -> vector<512x256xf32>
    %add3A_110 = arith.addf %dot_general3A_104, %dot_general3A_109 : vector<512x256xf32>
    %get3A_111 = arith.constant 0 : index
    %get3A_112 = arith.constant 0 : index
    %get3A_113 = vector.load %arg7[%get3A_111, %get3A_112] : memref<1x256xf32, #tpu.memory_space<vmem>>, vector<1x256xf32>
    %add3A_114 = vector.broadcast %get3A_113 : vector<1x256xf32> to vector<512x256xf32>
    %add3A_115 = arith.addf %add3A_110, %add3A_114 : vector<512x256xf32>
    %max3A = arith.constant 0.000000e+00 : f32
    %max3A_116 = vector.broadcast %max3A : f32 to vector<512x256xf32>
    %max3A_117 = arith.maximumf %add3A_115, %max3A_116 : vector<512x256xf32>
    %get3A_118 = arith.constant 0 : index
    %get3A_119 = arith.constant 0 : index
    %get3A_120 = vector.load %arg8[%get3A_118, %get3A_119] : memref<128x256xf32, #tpu.memory_space<vmem>>, vector<128x256xf32>
    %dot_general3A_121 = arith.constant dense<0.000000e+00> : vector<512x128xf32>
    %dot_general3A_122 = tpu.matmul %max3A_117, %get3A_120, %dot_general3A_121 {dimension_numbers = #tpu.dot_dimension_numbers<[1], [1], [0], [0], [0, 0, 1, 0], [], []>, transpose_lhs_hint = false} : vector<512x256xf32>, vector<128x256xf32>, vector<512x128xf32> -> vector<512x128xf32>
    %get3A_123 = arith.constant 0 : index
    %get3A_124 = arith.constant 0 : index
    %get3A_125 = vector.load %arg9[%get3A_123, %get3A_124] : memref<1x128xf32, #tpu.memory_space<vmem>>, vector<1x128xf32>
    %add3A_126 = vector.broadcast %get3A_125 : vector<1x128xf32> to vector<512x128xf32>
    %add3A_127 = arith.addf %dot_general3A_122, %add3A_126 : vector<512x128xf32>
    %max3A_128 = arith.constant 0.000000e+00 : f32
    %max3A_129 = vector.broadcast %max3A_128 : f32 to vector<512x128xf32>
    %max3A_130 = arith.maximumf %add3A_127, %max3A_129 : vector<512x128xf32>
    %swap3A = arith.constant 0 : index
    %swap3A_131 = arith.constant 0 : index
    %swap3A_132 = arith.constant 0 : index
    %swap3A_133 = vector.load %arg10[%swap3A, %swap3A_131, %swap3A_132] : memref<1x512x128xf32, #tpu.memory_space<vmem>>, vector<1x512x128xf32>
    %swap3A_134 = vector.shape_cast %swap3A_133 : vector<1x512x128xf32> to vector<512x128xf32>
    %swap3A_135 = vector.shape_cast %max3A_130 : vector<512x128xf32> to vector<1x512x128xf32>
    tpu.vector_store %arg10[%swap3A, %swap3A_131, %swap3A_132], %swap3A_135 {strides = array<i32>} : memref<1x512x128xf32, #tpu.memory_space<vmem>>, vector<1x512x128xf32>,
    return
  }
  func.func @transform_0(%arg0: i32) -> (i32, i32, i32) {
    %c0_i32 = arith.constant 0 : i32
    %c0_i32_0 = arith.constant 0 : i32
    %c0_i32_1 = arith.constant 0 : i32
    return %arg0, %c0_i32, %c0_i32_0 : i32, i32, i32
  }
  func.func @transform_1(%arg0: i32) -> (i32, i32, i32) {
    %c0_i32 = arith.constant 0 : i32
    %c0_i32_0 = arith.constant 0 : i32
    %c0_i32_1 = arith.constant 0 : i32
    return %arg0, %c0_i32, %c0_i32_0 : i32, i32, i32
  }
  func.func @transform_2(%arg0: i32) -> (i32, i32, i32) {
    %c0_i32 = arith.constant 0 : i32
    %c0_i32_0 = arith.constant 0 : i32
    %c0_i32_1 = arith.constant 0 : i32
    return %arg0, %c0_i32, %c0_i32_0 : i32, i32, i32
  }
  func.func @transform_3(%arg0: i32) -> (i32, i32, i32) {
    %c0_i32 = arith.constant 0 : i32
    %c0_i32_0 = arith.constant 0 : i32
    %c0_i32_1 = arith.constant 0 : i32
    return %arg0, %c0_i32, %c0_i32_0 : i32, i32, i32
  }
  func.func @transform_4(%arg0: i32) -> (i32, i32) {
    %c0_i32 = arith.constant 0 : i32
    %c0_i32_0 = arith.constant 0 : i32
    %c0_i32_1 = arith.constant 0 : i32
    return %c0_i32, %c0_i32_0 : i32, i32
  }
  func.func @transform_5(%arg0: i32) -> (i32, i32) {
    %c0_i32 = arith.constant 0 : i32
    %c0_i32_0 = arith.constant 0 : i32
    %c0_i32_1 = arith.constant 0 : i32
    return %c0_i32, %c0_i32_0 : i32, i32
  }
  func.func @transform_6(%arg0: i32) -> (i32, i32) {
    %c0_i32 = arith.constant 0 : i32
    %c0_i32_0 = arith.constant 0 : i32
    %c0_i32_1 = arith.constant 0 : i32
    return %c0_i32, %c0_i32_0 : i32, i32
  }
  func.func @transform_7(%arg0: i32) -> (i32, i32) {
    %c0_i32 = arith.constant 0 : i32
    %c0_i32_0 = arith.constant 0 : i32
    %c0_i32_1 = arith.constant 0 : i32
    return %c0_i32, %c0_i32_0 : i32, i32
  }
  func.func @transform_8(%arg0: i32) -> (i32, i32) {
    %c0_i32 = arith.constant 0 : i32
    %c0_i32_0 = arith.constant 0 : i32
    %c0_i32_1 = arith.constant 0 : i32
    return %c0_i32, %c0_i32_0 : i32, i32
  }
  func.func @transform_9(%arg0: i32) -> (i32, i32, i32) {
    %c0_i32 = arith.constant 0 : i32
    %c0_i32_0 = arith.constant 0 : i32
    %c0_i32_1 = arith.constant 0 : i32
    return %arg0, %c0_i32, %c0_i32_0 : i32, i32, i32
  }
}

module attributes {stable_mosaic.version = 14 : i64} {
  func.func @_fp3_body(%arg0: i32, %arg1: memref<1x2048x3xf32, #tpu.memory_space<vmem>>, %arg2: memref<1x2048x3xf32, #tpu.memory_space<vmem>>, %arg3: memref<1x1x16xf32, #tpu.memory_space<vmem>>, %arg4: memref<1x3x512xf32, #tpu.memory_space<vmem>>, %arg5: memref<1x512x128xf32, #tpu.memory_space<vmem>>, %arg6: memref<128x16xf32, #tpu.memory_space<vmem>>, %arg7: memref<128x3xf32, #tpu.memory_space<vmem>>, %arg8: memref<128x3xf32, #tpu.memory_space<vmem>>, %arg9: memref<128x128xf32, #tpu.memory_space<vmem>>, %arg10: memref<1x128xf32, #tpu.memory_space<vmem>>, %arg11: memref<128x128xf32, #tpu.memory_space<vmem>>, %arg12: memref<1x128xf32, #tpu.memory_space<vmem>>, %arg13: memref<128x128xf32, #tpu.memory_space<vmem>>, %arg14: memref<1x128xf32, #tpu.memory_space<vmem>>, %arg15: memref<128x128xf32, #tpu.memory_space<vmem>>, %arg16: memref<1x128xf32, #tpu.memory_space<vmem>>, %arg17: memref<50x128xf32, #tpu.memory_space<vmem>>, %arg18: memref<50x1xf32, #tpu.memory_space<vmem>>, %arg19: memref<1x50x2048xf32, #tpu.memory_space<vmem>>) attributes {dimension_semantics = [#tpu.dimension_semantics<arbitrary>], iteration_bounds = array<i64: 16>, scalar_prefetch = 0 : i64, scratch_operands = 0 : i64, tpu.core_type = #tpu.core_type<tc>, window_params = [{transform_indices = @transform_0, window_bounds = array<i64: 1, 2048, 3>}, {transform_indices = @transform_1, window_bounds = array<i64: 1, 2048, 3>}, {transform_indices = @transform_2, window_bounds = array<i64: 1, 1, 16>}, {transform_indices = @transform_3, window_bounds = array<i64: 1, 3, 512>}, {transform_indices = @transform_4, window_bounds = array<i64: 1, 512, 128>}, {pipeline_mode = #tpu.pipeline_mode<synchronous>, transform_indices = @transform_5, window_bounds = array<i64: 128, 16>}, {pipeline_mode = #tpu.pipeline_mode<synchronous>, transform_indices = @transform_6, window_bounds = array<i64: 128, 3>}, {pipeline_mode = #tpu.pipeline_mode<synchronous>, transform_indices = @transform_7, window_bounds = array<i64: 128, 3>}, {pipeline_mode = #tpu.pipeline_mode<synchronous>, transform_indices = @transform_8, window_bounds = array<i64: 128, 128>}, {pipeline_mode = #tpu.pipeline_mode<synchronous>, transform_indices = @transform_9, window_bounds = array<i64: 1, 128>}, {pipeline_mode = #tpu.pipeline_mode<synchronous>, transform_indices = @transform_10, window_bounds = array<i64: 128, 128>}, {pipeline_mode = #tpu.pipeline_mode<synchronous>, transform_indices = @transform_11, window_bounds = array<i64: 1, 128>}, {pipeline_mode = #tpu.pipeline_mode<synchronous>, transform_indices = @transform_12, window_bounds = array<i64: 128, 128>}, {pipeline_mode = #tpu.pipeline_mode<synchronous>, transform_indices = @transform_13, window_bounds = array<i64: 1, 128>}, {pipeline_mode = #tpu.pipeline_mode<synchronous>, transform_indices = @transform_14, window_bounds = array<i64: 128, 128>}, {pipeline_mode = #tpu.pipeline_mode<synchronous>, transform_indices = @transform_15, window_bounds = array<i64: 1, 128>}, {pipeline_mode = #tpu.pipeline_mode<synchronous>, transform_indices = @transform_16, window_bounds = array<i64: 50, 128>}, {pipeline_mode = #tpu.pipeline_mode<synchronous>, transform_indices = @transform_17, window_bounds = array<i64: 50, 1>}, {transform_indices = @transform_18, window_bounds = array<i64: 1, 50, 2048>}]} {
    %get3A = arith.constant 0 : index
    %get3A_0 = arith.constant 0 : index
    %get3A_1 = arith.constant 0 : index
    %get3A_2 = vector.load %arg1[%get3A, %get3A_0, %get3A_1] : memref<1x2048x3xf32, #tpu.memory_space<vmem>>, vector<1x2048x3xf32>
    %get3A_3 = vector.shape_cast %get3A_2 : vector<1x2048x3xf32> to vector<2048x3xf32>
    %get3A_4 = arith.constant 0 : index
    %get3A_5 = arith.constant 0 : index
    %get3A_6 = arith.constant 0 : index
    %get3A_7 = vector.load %arg4[%get3A_4, %get3A_5, %get3A_6] : memref<1x3x512xf32, #tpu.memory_space<vmem>>, vector<1x3x512xf32>
    %get3A_8 = vector.shape_cast %get3A_7 : vector<1x3x512xf32> to vector<3x512xf32>
    %get3A_9 = arith.constant 0 : index
    %get3A_10 = arith.constant 0 : index
    %get3A_11 = arith.constant 0 : index
    %get3A_12 = vector.load %arg5[%get3A_9, %get3A_10, %get3A_11] : memref<1x512x128xf32, #tpu.memory_space<vmem>>, vector<1x512x128xf32>
    %get3A_13 = vector.shape_cast %get3A_12 : vector<1x512x128xf32> to vector<512x128xf32>
    %slice3A = vector.extract_strided_slice %get3A_3 {offsets = [0, 0], sizes = [2048, 1], strides = [1, 1]} : vector<2048x3xf32> to vector<2048x1xf32>
    %slice3A_14 = vector.extract_strided_slice %get3A_8 {offsets = [0, 0], sizes = [1, 512], strides = [1, 1]} : vector<3x512xf32> to vector<1x512xf32>
    %sub3A = vector.broadcast %slice3A : vector<2048x1xf32> to vector<2048x512xf32>
    %sub3A_15 = vector.broadcast %slice3A_14 : vector<1x512xf32> to vector<2048x512xf32>
    %sub3A_16 = arith.subf %sub3A, %sub3A_15 : vector<2048x512xf32>
    %mul3A = arith.mulf %sub3A_16, %sub3A_16 : vector<2048x512xf32>
    %slice3A_17 = vector.extract_strided_slice %get3A_3 {offsets = [0, 1], sizes = [2048, 1], strides = [1, 1]} : vector<2048x3xf32> to vector<2048x1xf32>
    %slice3A_18 = vector.extract_strided_slice %get3A_8 {offsets = [1, 0], sizes = [1, 512], strides = [1, 1]} : vector<3x512xf32> to vector<1x512xf32>
    %sub3A_19 = vector.broadcast %slice3A_17 : vector<2048x1xf32> to vector<2048x512xf32>
    %sub3A_20 = vector.broadcast %slice3A_18 : vector<1x512xf32> to vector<2048x512xf32>
    %sub3A_21 = arith.subf %sub3A_19, %sub3A_20 : vector<2048x512xf32>
    %mul3A_22 = arith.mulf %sub3A_21, %sub3A_21 : vector<2048x512xf32>
    %add3A = arith.addf %mul3A, %mul3A_22 : vector<2048x512xf32>
    %slice3A_23 = vector.extract_strided_slice %get3A_3 {offsets = [0, 2], sizes = [2048, 1], strides = [1, 1]} : vector<2048x3xf32> to vector<2048x1xf32>
    %slice3A_24 = vector.extract_strided_slice %get3A_8 {offsets = [2, 0], sizes = [1, 512], strides = [1, 1]} : vector<3x512xf32> to vector<1x512xf32>
    %sub3A_25 = vector.broadcast %slice3A_23 : vector<2048x1xf32> to vector<2048x512xf32>
    %sub3A_26 = vector.broadcast %slice3A_24 : vector<1x512xf32> to vector<2048x512xf32>
    %sub3A_27 = arith.subf %sub3A_25, %sub3A_26 : vector<2048x512xf32>
    %mul3A_28 = arith.mulf %sub3A_27, %sub3A_27 : vector<2048x512xf32>
    %add3A_29 = arith.addf %add3A, %mul3A_28 : vector<2048x512xf32>
    %iota3A = tpu.iota {dimensions = array<i32: 1>} : vector<2048x512xi32>
    %argmin3A = tpu.reduce_index %add3A_29 {axis = 1 : i32, kind = #tpu.reduction_kind<arg_min>} : vector<2048x512xf32> -> vector<2048xi32>
    %broadcast_in_dim3A = vector.shape_cast %argmin3A : vector<2048xi32> to vector<2048x1xi32>
    %reduce_min3A = arith.constant dense<0x7F800000> : vector<2048xf32>
    %reduce_min3A_30 = vector.multi_reduction <minimumf>, %add3A_29, %reduce_min3A [1] : vector<2048x512xf32> to vector<2048xf32>
    %broadcast_in_dim3A_31 = vector.shape_cast %reduce_min3A_30 : vector<2048xf32> to vector<2048x1xf32>
    %eq3A = vector.broadcast %broadcast_in_dim3A : vector<2048x1xi32> to vector<2048x512xi32>
    %eq3A_32 = arith.cmpi eq, %iota3A, %eq3A : vector<2048x512xi32>
    %jit3A = arith.constant 0x7F800000 : f32
    %broadcast_in_dim3A_33 = vector.broadcast %jit3A : f32 to vector<2048x512xf32>
    %select_n3A = arith.select %eq3A_32, %broadcast_in_dim3A_33, %add3A_29 : vector<2048x512xi1>, vector<2048x512xf32>
    %argmin3A_34 = tpu.reduce_index %select_n3A {axis = 1 : i32, kind = #tpu.reduction_kind<arg_min>} : vector<2048x512xf32> -> vector<2048xi32>
    %broadcast_in_dim3A_35 = vector.shape_cast %argmin3A_34 : vector<2048xi32> to vector<2048x1xi32>
    %reduce_min3A_36 = arith.constant dense<0x7F800000> : vector<2048xf32>
    %reduce_min3A_37 = vector.multi_reduction <minimumf>, %select_n3A, %reduce_min3A_36 [1] : vector<2048x512xf32> to vector<2048xf32>
    %broadcast_in_dim3A_38 = vector.shape_cast %reduce_min3A_37 : vector<2048xf32> to vector<2048x1xf32>
    %eq3A_39 = vector.broadcast %broadcast_in_dim3A_35 : vector<2048x1xi32> to vector<2048x512xi32>
    %eq3A_40 = arith.cmpi eq, %iota3A, %eq3A_39 : vector<2048x512xi32>
    %jit3A_41 = arith.constant 0x7F800000 : f32
    %broadcast_in_dim3A_42 = vector.broadcast %jit3A_41 : f32 to vector<2048x512xf32>
    %select_n3A_43 = arith.select %eq3A_40, %broadcast_in_dim3A_42, %select_n3A : vector<2048x512xi1>, vector<2048x512xf32>
    %argmin3A_44 = tpu.reduce_index %select_n3A_43 {axis = 1 : i32, kind = #tpu.reduction_kind<arg_min>} : vector<2048x512xf32> -> vector<2048xi32>
    %broadcast_in_dim3A_45 = vector.shape_cast %argmin3A_44 : vector<2048xi32> to vector<2048x1xi32>
    %reduce_min3A_46 = arith.constant dense<0x7F800000> : vector<2048xf32>
    %reduce_min3A_47 = vector.multi_reduction <minimumf>, %select_n3A_43, %reduce_min3A_46 [1] : vector<2048x512xf32> to vector<2048xf32>
    %broadcast_in_dim3A_48 = vector.shape_cast %reduce_min3A_47 : vector<2048xf32> to vector<2048x1xf32>
    %add3A_49 = arith.constant 9.99999993E-9 : f32
    %add3A_50 = vector.broadcast %add3A_49 : f32 to vector<2048x1xf32>
    %add3A_51 = arith.addf %broadcast_in_dim3A_31, %add3A_50 : vector<2048x1xf32>
    %div3A = arith.constant 1.000000e+00 : f32
    %div3A_52 = vector.broadcast %div3A : f32 to vector<2048x1xf32>
    %div3A_53 = arith.divf %div3A_52, %add3A_51 : vector<2048x1xf32>
    %add3A_54 = arith.constant 9.99999993E-9 : f32
    %add3A_55 = vector.broadcast %add3A_54 : f32 to vector<2048x1xf32>
    %add3A_56 = arith.addf %broadcast_in_dim3A_38, %add3A_55 : vector<2048x1xf32>
    %div3A_57 = arith.constant 1.000000e+00 : f32
    %div3A_58 = vector.broadcast %div3A_57 : f32 to vector<2048x1xf32>
    %div3A_59 = arith.divf %div3A_58, %add3A_56 : vector<2048x1xf32>
    %add3A_60 = arith.constant 9.99999993E-9 : f32
    %add3A_61 = vector.broadcast %add3A_60 : f32 to vector<2048x1xf32>
    %add3A_62 = arith.addf %broadcast_in_dim3A_48, %add3A_61 : vector<2048x1xf32>
    %div3A_63 = arith.constant 1.000000e+00 : f32
    %div3A_64 = vector.broadcast %div3A_63 : f32 to vector<2048x1xf32>
    %div3A_65 = arith.divf %div3A_64, %add3A_62 : vector<2048x1xf32>
    %add3A_66 = arith.addf %div3A_53, %div3A_59 : vector<2048x1xf32>
    %add3A_67 = arith.addf %add3A_66, %div3A_65 : vector<2048x1xf32>
    %eq3A_68 = vector.broadcast %broadcast_in_dim3A : vector<2048x1xi32> to vector<2048x512xi32>
    %eq3A_69 = arith.cmpi eq, %iota3A, %eq3A_68 : vector<2048x512xi32>
    %div3A_70 = arith.divf %div3A_53, %add3A_67 : vector<2048x1xf32>
    %jit3A_71 = arith.constant 0.000000e+00 : f32
    %broadcast_in_dim3A_72 = vector.shape_cast %div3A_70 : vector<2048x1xf32> to vector<2048x1xf32>
    %broadcast_in_dim3A_73 = vector.broadcast %broadcast_in_dim3A_72 : vector<2048x1xf32> to vector<2048x512xf32>
    %broadcast_in_dim3A_74 = vector.broadcast %jit3A_71 : f32 to vector<2048x512xf32>
    %select_n3A_75 = arith.select %eq3A_69, %broadcast_in_dim3A_73, %broadcast_in_dim3A_74 : vector<2048x512xi1>, vector<2048x512xf32>
    %eq3A_76 = vector.broadcast %broadcast_in_dim3A_35 : vector<2048x1xi32> to vector<2048x512xi32>
    %eq3A_77 = arith.cmpi eq, %iota3A, %eq3A_76 : vector<2048x512xi32>
    %div3A_78 = arith.divf %div3A_59, %add3A_67 : vector<2048x1xf32>
    %jit3A_79 = arith.constant 0.000000e+00 : f32
    %broadcast_in_dim3A_80 = vector.shape_cast %div3A_78 : vector<2048x1xf32> to vector<2048x1xf32>
    %broadcast_in_dim3A_81 = vector.broadcast %broadcast_in_dim3A_80 : vector<2048x1xf32> to vector<2048x512xf32>
    %broadcast_in_dim3A_82 = vector.broadcast %jit3A_79 : f32 to vector<2048x512xf32>
    %select_n3A_83 = arith.select %eq3A_77, %broadcast_in_dim3A_81, %broadcast_in_dim3A_82 : vector<2048x512xi1>, vector<2048x512xf32>
    %add3A_84 = arith.addf %select_n3A_75, %select_n3A_83 : vector<2048x512xf32>
    %eq3A_85 = vector.broadcast %broadcast_in_dim3A_45 : vector<2048x1xi32> to vector<2048x512xi32>
    %eq3A_86 = arith.cmpi eq, %iota3A, %eq3A_85 : vector<2048x512xi32>
    %div3A_87 = arith.divf %div3A_65, %add3A_67 : vector<2048x1xf32>
    %jit3A_88 = arith.constant 0.000000e+00 : f32
    %broadcast_in_dim3A_89 = vector.shape_cast %div3A_87 : vector<2048x1xf32> to vector<2048x1xf32>
    %broadcast_in_dim3A_90 = vector.broadcast %broadcast_in_dim3A_89 : vector<2048x1xf32> to vector<2048x512xf32>
    %broadcast_in_dim3A_91 = vector.broadcast %jit3A_88 : f32 to vector<2048x512xf32>
    %select_n3A_92 = arith.select %eq3A_86, %broadcast_in_dim3A_90, %broadcast_in_dim3A_91 : vector<2048x512xi1>, vector<2048x512xf32>
    %add3A_93 = arith.addf %add3A_84, %select_n3A_92 : vector<2048x512xf32>
    %dot_general3A = arith.constant dense<0.000000e+00> : vector<2048x128xf32>
    %dot_general3A_94 = tpu.matmul %add3A_93, %get3A_13, %dot_general3A {dimension_numbers = #tpu.dot_dimension_numbers<[1], [0], [0], [1], [0, 0, 1, 1], [], []>, transpose_lhs_hint = false} : vector<2048x512xf32>, vector<512x128xf32>, vector<2048x128xf32> -> vector<2048x128xf32>
    %get3A_95 = arith.constant 0 : index
    %get3A_96 = arith.constant 0 : index
    %get3A_97 = arith.constant 0 : index
    %get3A_98 = vector.load %arg3[%get3A_95, %get3A_96, %get3A_97] : memref<1x1x16xf32, #tpu.memory_space<vmem>>, vector<1x1x16xf32>
    %get3A_99 = vector.shape_cast %get3A_98 : vector<1x1x16xf32> to vector<1x16xf32>
    %get3A_100 = arith.constant 0 : index
    %get3A_101 = arith.constant 0 : index
    %get3A_102 = vector.load %arg6[%get3A_100, %get3A_101] : memref<128x16xf32, #tpu.memory_space<vmem>>, vector<128x16xf32>
    %dot_general3A_103 = arith.constant dense<0.000000e+00> : vector<1x128xf32>
    %dot_general3A_104 = tpu.matmul %get3A_99, %get3A_102, %dot_general3A_103 {dimension_numbers = #tpu.dot_dimension_numbers<[1], [1], [0], [0], [0, 0, 1, 0], [], []>, transpose_lhs_hint = false} : vector<1x16xf32>, vector<128x16xf32>, vector<1x128xf32> -> vector<1x128xf32>
    %get3A_105 = arith.constant 0 : index
    %get3A_106 = arith.constant 0 : index
    %get3A_107 = arith.constant 0 : index
    %get3A_108 = vector.load %arg2[%get3A_105, %get3A_106, %get3A_107] : memref<1x2048x3xf32, #tpu.memory_space<vmem>>, vector<1x2048x3xf32>
    %get3A_109 = vector.shape_cast %get3A_108 : vector<1x2048x3xf32> to vector<2048x3xf32>
    %get3A_110 = arith.constant 0 : index
    %get3A_111 = arith.constant 0 : index
    %get3A_112 = vector.load %arg7[%get3A_110, %get3A_111] : memref<128x3xf32, #tpu.memory_space<vmem>>, vector<128x3xf32>
    %dot_general3A_113 = arith.constant dense<0.000000e+00> : vector<2048x128xf32>
    %dot_general3A_114 = tpu.matmul %get3A_109, %get3A_112, %dot_general3A_113 {dimension_numbers = #tpu.dot_dimension_numbers<[1], [1], [0], [0], [0, 0, 1, 0], [], []>, transpose_lhs_hint = false} : vector<2048x3xf32>, vector<128x3xf32>, vector<2048x128xf32> -> vector<2048x128xf32>
    %add3A_115 = vector.broadcast %dot_general3A_104 : vector<1x128xf32> to vector<2048x128xf32>
    %add3A_116 = arith.addf %add3A_115, %dot_general3A_114 : vector<2048x128xf32>
    %get3A_117 = arith.constant 0 : index
    %get3A_118 = arith.constant 0 : index
    %get3A_119 = vector.load %arg8[%get3A_117, %get3A_118] : memref<128x3xf32, #tpu.memory_space<vmem>>, vector<128x3xf32>
    %dot_general3A_120 = arith.constant dense<0.000000e+00> : vector<2048x128xf32>
    %dot_general3A_121 = tpu.matmul %get3A_3, %get3A_119, %dot_general3A_120 {dimension_numbers = #tpu.dot_dimension_numbers<[1], [1], [0], [0], [0, 0, 1, 0], [], []>, transpose_lhs_hint = false} : vector<2048x3xf32>, vector<128x3xf32>, vector<2048x128xf32> -> vector<2048x128xf32>
    %add3A_122 = arith.addf %add3A_116, %dot_general3A_121 : vector<2048x128xf32>
    %get3A_123 = arith.constant 0 : index
    %get3A_124 = arith.constant 0 : index
    %get3A_125 = vector.load %arg9[%get3A_123, %get3A_124] : memref<128x128xf32, #tpu.memory_space<vmem>>, vector<128x128xf32>
    %dot_general3A_126 = arith.constant dense<0.000000e+00> : vector<2048x128xf32>
    %dot_general3A_127 = tpu.matmul %dot_general3A_94, %get3A_125, %dot_general3A_126 {dimension_numbers = #tpu.dot_dimension_numbers<[1], [1], [0], [0], [0, 0, 1, 0], [], []>, transpose_lhs_hint = false} : vector<2048x128xf32>, vector<128x128xf32>, vector<2048x128xf32> -> vector<2048x128xf32>
    %add3A_128 = arith.addf %add3A_122, %dot_general3A_127 : vector<2048x128xf32>
    %get3A_129 = arith.constant 0 : index
    %get3A_130 = arith.constant 0 : index
    %get3A_131 = vector.load %arg10[%get3A_129, %get3A_130] : memref<1x128xf32, #tpu.memory_space<vmem>>, vector<1x128xf32>
    %add3A_132 = vector.broadcast %get3A_131 : vector<1x128xf32> to vector<2048x128xf32>
    %add3A_133 = arith.addf %add3A_128, %add3A_132 : vector<2048x128xf32>
    %max3A = arith.constant 0.000000e+00 : f32
    %max3A_134 = vector.broadcast %max3A : f32 to vector<2048x128xf32>
    %max3A_135 = arith.maximumf %add3A_133, %max3A_134 : vector<2048x128xf32>
    %get3A_136 = arith.constant 0 : index
    %get3A_137 = arith.constant 0 : index
    %get3A_138 = vector.load %arg11[%get3A_136, %get3A_137] : memref<128x128xf32, #tpu.memory_space<vmem>>, vector<128x128xf32>
    %dot_general3A_139 = arith.constant dense<0.000000e+00> : vector<2048x128xf32>
    %dot_general3A_140 = tpu.matmul %max3A_135, %get3A_138, %dot_general3A_139 {dimension_numbers = #tpu.dot_dimension_numbers<[1], [1], [0], [0], [0, 0, 1, 0], [], []>, transpose_lhs_hint = false} : vector<2048x128xf32>, vector<128x128xf32>, vector<2048x128xf32> -> vector<2048x128xf32>
    %get3A_141 = arith.constant 0 : index
    %get3A_142 = arith.constant 0 : index
    %get3A_143 = vector.load %arg12[%get3A_141, %get3A_142] : memref<1x128xf32, #tpu.memory_space<vmem>>, vector<1x128xf32>
    %add3A_144 = vector.broadcast %get3A_143 : vector<1x128xf32> to vector<2048x128xf32>
    %add3A_145 = arith.addf %dot_general3A_140, %add3A_144 : vector<2048x128xf32>
    %max3A_146 = arith.constant 0.000000e+00 : f32
    %max3A_147 = vector.broadcast %max3A_146 : f32 to vector<2048x128xf32>
    %max3A_148 = arith.maximumf %add3A_145, %max3A_147 : vector<2048x128xf32>
    %get3A_149 = arith.constant 0 : index
    %get3A_150 = arith.constant 0 : index
    %get3A_151 = vector.load %arg13[%get3A_149, %get3A_150] : memref<128x128xf32, #tpu.memory_space<vmem>>, vector<128x128xf32>
    %dot_general3A_152 = arith.constant dense<0.000000e+00> : vector<2048x128xf32>
    %dot_general3A_153 = tpu.matmul %max3A_148, %get3A_151, %dot_general3A_152 {dimension_numbers = #tpu.dot_dimension_numbers<[1], [1], [0], [0], [0, 0, 1, 0], [], []>, transpose_lhs_hint = false} : vector<2048x128xf32>, vector<128x128xf32>, vector<2048x128xf32> -> vector<2048x128xf32>
    %get3A_154 = arith.constant 0 : index
    %get3A_155 = arith.constant 0 : index
    %get3A_156 = vector.load %arg14[%get3A_154, %get3A_155] : memref<1x128xf32, #tpu.memory_space<vmem>>, vector<1x128xf32>
    %add3A_157 = vector.broadcast %get3A_156 : vector<1x128xf32> to vector<2048x128xf32>
    %add3A_158 = arith.addf %dot_general3A_153, %add3A_157 : vector<2048x128xf32>
    %max3A_159 = arith.constant 0.000000e+00 : f32
    %max3A_160 = vector.broadcast %max3A_159 : f32 to vector<2048x128xf32>
    %max3A_161 = arith.maximumf %add3A_158, %max3A_160 : vector<2048x128xf32>
    %get3A_162 = arith.constant 0 : index
    %get3A_163 = arith.constant 0 : index
    %get3A_164 = vector.load %arg15[%get3A_162, %get3A_163] : memref<128x128xf32, #tpu.memory_space<vmem>>, vector<128x128xf32>
    %dot_general3A_165 = arith.constant dense<0.000000e+00> : vector<2048x128xf32>
    %dot_general3A_166 = tpu.matmul %max3A_161, %get3A_164, %dot_general3A_165 {dimension_numbers = #tpu.dot_dimension_numbers<[1], [1], [0], [0], [0, 0, 1, 0], [], []>, transpose_lhs_hint = false} : vector<2048x128xf32>, vector<128x128xf32>, vector<2048x128xf32> -> vector<2048x128xf32>
    %get3A_167 = arith.constant 0 : index
    %get3A_168 = arith.constant 0 : index
    %get3A_169 = vector.load %arg16[%get3A_167, %get3A_168] : memref<1x128xf32, #tpu.memory_space<vmem>>, vector<1x128xf32>
    %add3A_170 = vector.broadcast %get3A_169 : vector<1x128xf32> to vector<2048x128xf32>
    %add3A_171 = arith.addf %dot_general3A_166, %add3A_170 : vector<2048x128xf32>
    %max3A_172 = arith.constant 0.000000e+00 : f32
    %max3A_173 = vector.broadcast %max3A_172 : f32 to vector<2048x128xf32>
    %max3A_174 = arith.maximumf %add3A_171, %max3A_173 : vector<2048x128xf32>
    %get3A_175 = arith.constant 0 : index
    %get3A_176 = arith.constant 0 : index
    %get3A_177 = vector.load %arg17[%get3A_175, %get3A_176] : memref<50x128xf32, #tpu.memory_space<vmem>>, vector<50x128xf32>
    %dot_general3A_178 = arith.constant dense<0.000000e+00> : vector<50x2048xf32>
    %dot_general3A_179 = tpu.matmul %get3A_177, %max3A_174, %dot_general3A_178 {dimension_numbers = #tpu.dot_dimension_numbers<[1], [1], [0], [0], [0, 0, 1, 0], [], []>, transpose_lhs_hint = false} : vector<50x128xf32>, vector<2048x128xf32>, vector<50x2048xf32> -> vector<50x2048xf32>
    %get3A_180 = arith.constant 0 : index
    %get3A_181 = arith.constant 0 : index
    %get3A_182 = vector.load %arg18[%get3A_180, %get3A_181] : memref<50x1xf32, #tpu.memory_space<vmem>>, vector<50x1xf32>
    %add3A_183 = vector.broadcast %get3A_182 : vector<50x1xf32> to vector<50x2048xf32>
    %add3A_184 = arith.addf %dot_general3A_179, %add3A_183 : vector<50x2048xf32>
    %swap3A = arith.constant 0 : index
    %swap3A_185 = arith.constant 0 : index
    %swap3A_186 = arith.constant 0 : index
    %swap3A_187 = vector.load %arg19[%swap3A, %swap3A_185, %swap3A_186] : memref<1x50x2048xf32, #tpu.memory_space<vmem>>, vector<1x50x2048xf32>
    %swap3A_188 = vector.shape_cast %swap3A_187 : vector<1x50x2048xf32> to vector<50x2048xf32>
    %swap3A_189 = vector.shape_cast %add3A_184 : vector<50x2048xf32> to vector<1x50x2048xf32>
    tpu.vector_store %arg19[%swap3A, %swap3A_185, %swap3A_186], %swap3A_189 {strides = array<i32>} : memref<1x50x2048xf32, #tpu.memory_space<vmem>>, vector<1x50x2048xf32>,
    return
  }
  func.func @transform_0(%arg0: i32) -> (i32, i32, i32) {
    %c0_i32 = arith.constant 0 : i32
    %c0_i32_0 = arith.constant 0 : i32
    %c0_i32_1 = arith.constant 0 : i32
    return %arg0, %c0_i32, %c0_i32_0 : i32, i32, i32
  }
  func.func @transform_1(%arg0: i32) -> (i32, i32, i32) {
    %c0_i32 = arith.constant 0 : i32
    %c0_i32_0 = arith.constant 0 : i32
    %c0_i32_1 = arith.constant 0 : i32
    return %arg0, %c0_i32, %c0_i32_0 : i32, i32, i32
  }
  func.func @transform_2(%arg0: i32) -> (i32, i32, i32) {
    %c0_i32 = arith.constant 0 : i32
    %c0_i32_0 = arith.constant 0 : i32
    %c0_i32_1 = arith.constant 0 : i32
    return %arg0, %c0_i32, %c0_i32_0 : i32, i32, i32
  }
  func.func @transform_3(%arg0: i32) -> (i32, i32, i32) {
    %c0_i32 = arith.constant 0 : i32
    %c0_i32_0 = arith.constant 0 : i32
    %c0_i32_1 = arith.constant 0 : i32
    return %arg0, %c0_i32, %c0_i32_0 : i32, i32, i32
  }
  func.func @transform_4(%arg0: i32) -> (i32, i32, i32) {
    %c0_i32 = arith.constant 0 : i32
    %c0_i32_0 = arith.constant 0 : i32
    %c0_i32_1 = arith.constant 0 : i32
    return %arg0, %c0_i32, %c0_i32_0 : i32, i32, i32
  }
  func.func @transform_5(%arg0: i32) -> (i32, i32) {
    %c0_i32 = arith.constant 0 : i32
    %c0_i32_0 = arith.constant 0 : i32
    %c0_i32_1 = arith.constant 0 : i32
    return %c0_i32, %c0_i32_0 : i32, i32
  }
  func.func @transform_6(%arg0: i32) -> (i32, i32) {
    %c0_i32 = arith.constant 0 : i32
    %c0_i32_0 = arith.constant 0 : i32
    %c0_i32_1 = arith.constant 0 : i32
    return %c0_i32, %c0_i32_0 : i32, i32
  }
  func.func @transform_7(%arg0: i32) -> (i32, i32) {
    %c0_i32 = arith.constant 0 : i32
    %c0_i32_0 = arith.constant 0 : i32
    %c0_i32_1 = arith.constant 0 : i32
    return %c0_i32, %c0_i32_0 : i32, i32
  }
  func.func @transform_8(%arg0: i32) -> (i32, i32) {
    %c0_i32 = arith.constant 0 : i32
    %c0_i32_0 = arith.constant 0 : i32
    %c0_i32_1 = arith.constant 0 : i32
    return %c0_i32, %c0_i32_0 : i32, i32
  }
  func.func @transform_9(%arg0: i32) -> (i32, i32) {
    %c0_i32 = arith.constant 0 : i32
    %c0_i32_0 = arith.constant 0 : i32
    %c0_i32_1 = arith.constant 0 : i32
    return %c0_i32, %c0_i32_0 : i32, i32
  }
  func.func @transform_10(%arg0: i32) -> (i32, i32) {
    %c0_i32 = arith.constant 0 : i32
    %c0_i32_0 = arith.constant 0 : i32
    %c0_i32_1 = arith.constant 0 : i32
    return %c0_i32, %c0_i32_0 : i32, i32
  }
  func.func @transform_11(%arg0: i32) -> (i32, i32) {
    %c0_i32 = arith.constant 0 : i32
    %c0_i32_0 = arith.constant 0 : i32
    %c0_i32_1 = arith.constant 0 : i32
    return %c0_i32, %c0_i32_0 : i32, i32
  }
  func.func @transform_12(%arg0: i32) -> (i32, i32) {
    %c0_i32 = arith.constant 0 : i32
    %c0_i32_0 = arith.constant 0 : i32
    %c0_i32_1 = arith.constant 0 : i32
    return %c0_i32, %c0_i32_0 : i32, i32
  }
  func.func @transform_13(%arg0: i32) -> (i32, i32) {
    %c0_i32 = arith.constant 0 : i32
    %c0_i32_0 = arith.constant 0 : i32
    %c0_i32_1 = arith.constant 0 : i32
    return %c0_i32, %c0_i32_0 : i32, i32
  }
  func.func @transform_14(%arg0: i32) -> (i32, i32) {
    %c0_i32 = arith.constant 0 : i32
    %c0_i32_0 = arith.constant 0 : i32
    %c0_i32_1 = arith.constant 0 : i32
    return %c0_i32, %c0_i32_0 : i32, i32
  }
  func.func @transform_15(%arg0: i32) -> (i32, i32) {
    %c0_i32 = arith.constant 0 : i32
    %c0_i32_0 = arith.constant 0 : i32
    %c0_i32_1 = arith.constant 0 : i32
    return %c0_i32, %c0_i32_0 : i32, i32
  }
  func.func @transform_16(%arg0: i32) -> (i32, i32) {
    %c0_i32 = arith.constant 0 : i32
    %c0_i32_0 = arith.constant 0 : i32
    %c0_i32_1 = arith.constant 0 : i32
    return %c0_i32, %c0_i32_0 : i32, i32
  }
  func.func @transform_17(%arg0: i32) -> (i32, i32) {
    %c0_i32 = arith.constant 0 : i32
    %c0_i32_0 = arith.constant 0 : i32
    %c0_i32_1 = arith.constant 0 : i32
    return %c0_i32, %c0_i32_0 : i32, i32
  }
  func.func @transform_18(%arg0: i32) -> (i32, i32, i32) {
    %c0_i32 = arith.constant 0 : i32
    %c0_i32_0 = arith.constant 0 : i32
    %c0_i32_1 = arith.constant 0 : i32
    return %arg0, %c0_i32, %c0_i32_0 : i32, i32, i32
  }
}

</mosaic_0001>

<sc_bundles>
// kernel: kernel.10.cloned.1.call-start
scs
__scs_entry_jumppad:
0x0: {  	(pc) =	sbr.rel $0x88, $3  }
0x1: {  	(tag) =	ssettag $0x0;
	lr =	simm.s32 $0x1  }
0x2: {  	[smem:$0x3F7A] =	sst lr;
	_ =	strace $0xD0000000  }
0x3: {  	_ = 	snop  }
0x4: {  	_ = 	snop  }
0x5: {  	_ = 	snop  }
0x6: {  	_ = 	snop  }
0x7: {  	_ = 	snop  }
__scs_overlays_trampoline_lowered:
0x8: {  	[smem:$0x3F89] =	sst s0  }
0x9: {  	[smem:$0x3F8A] =	sst s1  }
0xa: {  	[smem:$0x3F8B] =	sst s2  }
0xb: {  	[smem:$0x3F8C] =	sst s3  }
0xc: {  	[smem:$0x3F8D] =	sst s4  }
0xd: {  	[smem:$0x3F8E] =	sst s5  }
0xe: {  	[smem:$0x3F8F] =	sst s6  }
0xf: {  	[smem:$0x3F90] =	sst s7  }
0x10: {  	[smem:$0x3F91] =	sst s8  }
0x11: {  	[smem:$0x3F92] =	sst s9;
	s0 =	simm.s32 @!p0 $0x0  }
0x12: {  	s1 =	sld [smem:$0x3F78];
	s0 =	simm.s32 @p0 $0x1  }
0x13: {  	[smem:$0x3F93] =	sst s0;
	s0 =	simm.s32 @!p1 $0x0  }
0x14: {  	s2 =	sld [smem:$0x3F77];
	s0 =	simm.s32 @p1 $0x1  }
0x15: {  	[smem:$0x3F94] =	sst s0;
	s0 =	simm.s32 @!p2 $0x0  }
0x16: {  	s3 =	sld [smem:$0x3FDB];
	s0 =	simm.s32 @p2 $0x1  }
0x17: {  	s4 =	simm.s32 $0x1BF5;
	[smem:$0x3F96] =	sst s0  }
0x18: {  	s0 =	sld [smem:$0x3F79];
	_ =	swait.ge [sflag:s4], $0x0  }
0x19: {  	s7 =	sld [smem:$0x3F7A]  }
0x1a: {  	s8 =	sadd.s32 $0xFFFFE003, lr  }
0x1b: {  	s9 =	sadd.s32 $0xFFFFFEF7, lr;
	s5 =	simm.s32 $0xFFFFFFFF;
	p2 =	slt.u32 s8, $0xFFFFF086  }
0x1c: {  	p1 =	slt.u32 s9, $0xF7A;
	s5 =	simm.s32 @!p2 $0x0  }
0x1d: {  	s5 =	simm.s32 @p1 $0x1;
	p0 =	seq.s32 s7, s2  }
0x1e: {  	s7 =	smul.u32 @!p0 $0xF7A, s2;
	p2 =	seq.s32 @!p0 s5, $0x0  }
0x1f: {  	s9 =	smul.u32 $0xF7A, s1;
	s8 =	simm.s32 @!p0 $0x1BF5;
	p2 =	por !p2, p0  }
0x20: {  	[sflag:s8] =	ssyncset.s32 @!p0 $0xFFFFF086;
	s6 =	sadd.s32 @!p0 s3, s7;
	s7 =	simm.s32 @!p0 $0x108  }
0x21: {  	s3 =	sadd.s32 s3, s9;
	s6 =	sadd.s32 @!p0 $0x88, s6;
	s7 =	simm.s32 @p2 $0x1082  }
0x22: {  	[simem:s7], [sflag:s8] =	dma.local @!p0 [hbm:s6], $0xF7A  }
0x23: {  	s9 =	sor.u32 $0xD0000000, s2;
	s6 =	simm.s32 $0x108;
	_ =	swait.ge @!p0 [sflag:s8], $0x0  }
0x24: {  	s3 =	sadd.s32 $0x88, s3;
	s6 =	simm.s32 @!p1 $0x1082;
	[sflag:s4] =	ssyncset.s32 $0xFFFFF086  }
0x25: {  	[simem:s6], [sflag:s4] =	dma.local [hbm:s3], $0xF7A  }
0x26: {  	[smem:$0x3F7A] =	sst s1;
	(tag) =	ssettag s2;
	_ =	strace s9  }
0x27: {  	s1 =	sld [smem:$0x3F8A]  }
0x28: {  	s2 =	sld [smem:$0x3F8B]  }
0x29: {  	s4 =	sld [smem:$0x3F8D]  }
0x2a: {  	p0 =	seq.s32 s5, $0x0;
	s5 =	sld [smem:$0x3F8E]  }
0x2b: {  	s6 =	sld [smem:$0x3F8F]  }
0x2c: {  	s7 =	sld [smem:$0x3F90]  }
0x2d: {  	s3 =	simm.s32 $0x108;
	s8 =	sld [smem:$0x3F91]  }
0x2e: {  	s3 =	simm.s32 @!p0 $0x1082;
	s9 =	sld [smem:$0x3F92]  }
0x2f: {  	lr =	sadd.s32 s0, s3;
	s0 =	sld [smem:$0x3F89]  }
0x30: {  	s3 =	sld [smem:$0x3F8C]  }
0x31: {  	[smem:$0x3F95] =	sst s10  }
0x32: {  	s10 =	sld [smem:$0x3F93];
	_ =	sdelay $0x3  }
0x33: {  	p0 =	seq.s32 s10, $0x1;
	s10 =	sld [smem:$0x3F95];
	_ =	sdelay $0x3  }
0x34: {  	[smem:$0x3F95] =	sst s10  }
0x35: {  	s10 =	sld [smem:$0x3F94];
	_ =	sdelay $0x3  }
0x36: {  	p1 =	seq.s32 s10, $0x1;
	s10 =	sld [smem:$0x3F95];
	_ =	sdelay $0x3  }
0x37: {  	[smem:$0x3F95] =	sst s10  }
0x38: {  	s10 =	sld [smem:$0x3F96]  }
0x39: {  	_ = 	snop;
	(pc) =	sbr.ind lr, $3  }
0x3a: {  	_ = 	snop  }
0x3b: {  	_ = 	snop  }
0x3c: {  	p2 =	seq.s32 s10, $0x1;
	s10 =	sld [smem:$0x3F95]  }
0x3d: {  	_ =	shalt  }
0x3e: {  	_ =	shalt  }
0x3f: {  	_ =	shalt  }
0x40: {  	_ =	shalt  }
0x41: {  	_ =	shalt  }
0x42: {  	_ =	shalt  }
0x43: {  	_ =	shalt  }
0x44: {  	_ =	shalt  }
0x45: {  	_ =	shalt  }
0x46: {  	_ =	shalt  }
0x47: {  	_ =	shalt  }
0x48: {  	_ =	shalt  }
0x49: {  	_ =	shalt  }
0x4a: {  	_ =	shalt  }
0x4b: {  	_ =	shalt  }
0x4c: {  	_ =	shalt  }
0x4d: {  	_ =	shalt  }
0x4e: {  	_ =	shalt  }
0x4f: {  	_ =	shalt  }
0x50: {  	_ =	shalt  }
0x51: {  	_ =	shalt  }
0x52: {  	_ =	shalt  }
0x53: {  	_ =	shalt  }
0x54: {  	_ =	shalt  }
0x55: {  	_ =	shalt  }
0x56: {  	_ =	shalt  }
0x57: {  	_ =	shalt  }
0x58: {  	_ =	shalt  }
0x59: {  	_ =	shalt  }
0x5a: {  	_ =	shalt  }
0x5b: {  	_ =	shalt  }
0x5c: {  	_ =	shalt  }
0x5d: {  	_ =	shalt  }
0x5e: {  	_ =	shalt  }
0x5f: {  	_ =	shalt  }
0x60: {  	_ =	shalt  }
0x61: {  	_ =	shalt  }
0x62: {  	_ =	shalt  }
0x63: {  	_ =	shalt  }
0x64: {  	_ =	shalt  }
0x65: {  	_ =	shalt  }
0x66: {  	_ =	shalt  }
0x67: {  	_ =	shalt  }
0x68: {  	_ =	shalt  }
0x69: {  	_ =	shalt  }
0x6a: {  	_ =	shalt  }
0x6b: {  	_ =	shalt  }
0x6c: {  	_ =	shalt  }
0x6d: {  	_ =	shalt  }
0x6e: {  	_ =	shalt  }
0x6f: {  	_ =	shalt  }
0x70: {  	_ =	shalt  }
0x71: {  	_ =	shalt  }
0x72: {  	_ =	shalt  }
0x73: {  	_ =	shalt  }
0x74: {  	_ =	shalt  }
0x75: {  	_ =	shalt  }
0x76: {  	_ =	shalt  }
0x77: {  	_ =	shalt  }
0x78: {  	_ =	shalt  }
0x79: {  	_ =	shalt  }
0x7a: {  	_ =	shalt  }
0x7b: {  	_ =	shalt  }
0x7c: {  	_ =	shalt  }
0x7d: {  	_ =	shalt  }
0x7e: {  	_ =	shalt  }
0x7f: {  	_ =	shalt  }
0x80: {  	_ =	shalt  }
0x81: {  	_ =	shalt  }
0x82: {  	_ =	shalt  }
0x83: {  	_ =	shalt  }
0x84: {  	_ =	shalt  }
0x85: {  	_ =	shalt  }
0x86: {  	_ =	shalt  }
0x87: {  	_ =	shalt  }
.Lfunc_end0:
.L_simem_size_0:
called_computation_lowered:
.L_overlay_start_0:
0x88: {  	s2 =	sld [smem:$0x3FD9]  }
0x89: {  	s3 =	sld [smem:$0x3FFE];
	_ =	sdelay $0x1  }
0x8a: {  	s1 =	srdreg.scid  }
0x8b: {  	s0 =	sand.u32 $0x1, s1  }
0x8c: {  	s16 =	sshll.u32 s0, $0xA;
	s2 =	sadd.s32 s3, s2  }
0x8d: {  	s2 =	sadd.s32 s2, s16  }
0x8e: {  	[smem:$0x3FA1] =	sst s2  }
0x8f: {  	_ = 	snop  }
0x90: {  	(tm) =	ssettm $0x1  }
0x91: {  	s17 =	sld [smem:$0x3FFB];
	_ =	sdelay $0x3  }
0x92: {  	_ =	strace s17  }
0x93: {  	s2 =	sld [smem:$0x3FFC];
	_ =	sdelay $0x3  }
0x94: {  	_ =	strace s2  }
0x95: {  	s2 =	sld [smem:$0x3FFD];
	_ =	sdelay $0x3  }
0x96: {  	_ =	strace s2  }
0x97: {  	_ =	strace $0x8FFFFFFF  }
0x98: {  	s18 =	sld [smem:$0x3FDB];
	_ =	sdelay $0x1  }
0x99: {  	s19 =	simm.s32 $_scs_section_size  }
0x9a: {  	s4 =	simm.s32 $_size__tile_overlayer_lowered;
	s5 =	simm.s32 $_tile_overlayer_lowered  }
0x9b: {  	s22 =	simm.s32 $0x1BFF;
	s21 =	sshll.u32 s5, $0x1;
	s2 =	sadd.s32 s19, s18  }
0x9c: {  	s6 =	simm.s32 $0x0;
	s20 =	sshll.u32 s4, $0x1;
	s4 =	sadd.s32 s21, s2  }
0x9d: {  	[timem:s6], [sflag:s22] =	dma.local [hbm:s4], s20  }
0x9e: {  	_ =	swait.ge [sflag:s22], s20  }
0x9f: {  	s3 =	ssub.s32 $0x0, s20;
	[sflag:s22] =	ssyncset.done $0x0  }
0xa0: {  	[sflag:s22] =	ssyncadd.s32 s3;
	_ =	sdelay $0x1  }
0xa1: {  	s23 =	simm.s32 $0x1B8B  }
0xa2: {  	_ =	swait.ge [sflag:s23], $0x1  }
0xa3: {  	[sflag:s23] =	ssyncset.done $0x0  }
0xa4: {  	s25 =	simm.s32 $0x1B8E;
	s24 =	sld [smem:$0x3FFE];
	[sflag:s23] =	ssyncadd.s32 $0xFFFFFFFF  }
0xa5: {  	s26 =	simm.s32 $execute0_lowered;
	[smem:$0x3FD2] =	sst s25  }
0xa6: {  	s4 =	sshll.u32 s26, $0x1;
	_ =	strace $0x80000046;
	[dreg:$0x1] =	wrdreg $0xFFFFFFFF  }
0xa7: {  	s28 =	simm.s32 $_size_execute0_lowered;
	s2 =	sadd.s32 s2, s4;
	[dreg:$0x0] =	wrdreg $0x0  }
0xa8: {  	s4 =	sshll.u32 s28, $0x1;
	[dreg:$0x2] =	wrdreg s2  }
0xa9: {  	[dreg:$0x3] =	wrdreg s4  }
0xaa: {  	[dreg:$0x4] =	wrdreg $0xC0  }
0xab: {  	_ =	task [dreg:s6], $0x5FFFF  }
0xac: {  	[dreg:$0x1] =	wrdreg $0xFFFFFFFF  }
0xad: {  	[dreg:$0x0] =	wrdreg $0x60  }
0xae: {  	[dreg:$0x2] =	wrdreg s24  }
0xaf: {  	[dreg:$0x3] =	wrdreg $0x9  }
0xb0: {  	_ =	task.clear_ibuf [dreg:s6], $0x4FFFF;
	_ =	strace $0x90000046  }
0xb1: {  	s29 =	simm.s32 $0x9;
	_ =	strace $0x80000048  }
0xb2: {  	_ =	swait.ge [sflag:s29], $0x1  }
0xb3: {  	[sflag:s29] =	ssyncadd.s32 $0xFFFFFFFF  }
0xb4: {  	_ =	strace $0x90000048  }
0xb5: {  	_ =	sfence  }
0xb6: {  	s30 =	sld [smem:$0x0];
	_ =	sdelay $0x2  }
0xb7: {  	s31 =	sshll.u32 s1, $0xD;
	s1 =	sshrl.u32 s1, $0x2  }
0xb8: {  	s3 =	sand.u32 $0x4000, s31;
	s1 =	sadd.s32 s1, s30  }
0xb9: {  	s0 =	sor.u32 s3, s0;
	s1 =	sshll.u32 s1, $0x11  }
0xba: {  	s0 =	sor.u32 s1, s0  }
0xbb: {  	s0 =	sadd.s32 $0x8F2B, s0  }
0xbc: {  	[sflag:s0] =	ssyncadd.remote.s32 $0x1  }
0xbd: {  	_ =	sfence.sel $0xFFFF  }
0xbe: {  	[dreg:$0x0] =	wrdreg $0xFFFFFFFF;
	(pc) =	sbr.abs _section_cstart, $3  }
0xbf: {  	[dreg:$0x1] =	wrdreg $0xFFFFFFFF  }
0xc0: {  	_ =	task.clear_ibuf [dreg:s6], $0x2FFFF;
	_ =	strace $0x9FFFFFFF  }
0xc1: {  	(tm) =	ssettm $0x7FFFFFFF  }
tec
execute0_lowered:
.L_overlay_start_1:
0x0: {  	(tag) =	ssettag $0x1  }
0x1: {  	s1 =	srdreg.scid  }
0x2: {  	s0 =	stileid.u32;
	s7 =	rddreg [dreg:$0x0];
	s3 =	simm.s32 $0x0  }
0x3: {  	s17 =	simm.s32 $0x1800;
	s18 =	simm.s32 $0x2000;
	s19 =	simm.s32 $0x2800  }
0x4: {  	s20 =	simm.s32 $0x3000;
	s21 =	simm.s32 $0x3380;
	s5 =	sand.u32 $0x1, s1  }
0x5: {  	s22 =	simm.s32 $0x3500;
	s23 =	simm.s32 $0x0;
	s1 =	sor.u32 s5, s0  }
0x6: {  	[smem:$0x7FF] =	sst s3;
	p1 =	seq.s32 s5, $0x1;
	p0 =	seq.s32 s1, $0x0  }
0x7: {  	s8 =	sadd.s32 $0x8600, s7;
	s11 =	sadd.s32 $0xC600, s7;
	p0 =	por !p0, !p1  }
0x8: {  	s10 =	ssub.s32 $0x2, s5;
	s1 =	simm.s32 $0x1;
	p0 =	por !p0, !p0  }
0x9: {  	v0 =	vlaneseq.u32;
	s25 =	sshll.u32 s5, $0x8;
	s28 =	sshrl.u32 s10, $0x1;
	s1 =	simm.s32 @!p0 $0x0  }
0xa: {  	v0 =	vmul.u32 $0x6, v0;
	s5 =	sadd.s32 $0xF600, s7;
	s14 =	ssub.s32 s10, s28;
	s6 =	ssub.s32 s0, s1  }
0xb: {  	v1 =	vimm.f32 $0.0e+00;
	s14 =	smax.u32 s14, $0x1;
	s2 =	sshll.u32 s6, $0x9;
	s6 =	smul.u32 $0x1800, s6  }
0xc: {  	v25 =	vimm.s32 $0x0;
	v2 =	vor.u32 $0x1, v0;
	v3 =	vadd.s32 $0x2, v0;
	s1 =	rddreg [dreg:$0x1];
	_ =	strace $0x80000047;
	s2 =	sor.u32 s25, s2  }
0xd: {  	v4 =	vadd.s32 $0x3, v0;
	v5 =	vadd.s32 $0x4, v0;
	v6 =	vadd.s32 $0x5, v0;
	s4 =	smul.u32 $0x3, s2;
	s26 =	sshrl.u32 s2, $0x3;
	s29 =	sadd.s32 $0x800, s6  }
0xe: {  	v7 =	vadd.s32 $0x60, v0;
	v8 =	vadd.s32 $0x61, v0;
	v9 =	vadd.s32 $0x62, v0;
	s30 =	sadd.s32 $0x1000, s6;
	s31 =	sshrl.u32 s6, $0x3;
	s13 =	sadd.s32 s26, s7  }
0xf: {  	v10 =	vadd.s32 $0x63, v0;
	v11 =	vadd.s32 $0x64, v0;
	v12 =	vadd.s32 $0x65, v0;
	s15 =	sshrl.u32 s29, $0x3;
	s16 =	sshrl.u32 s30, $0x3;
	s6 =	sadd.s32 s8, s31  }
0x10: {  	v13 =	vadd.s32 $0xC0, v0;
	v14 =	vadd.s32 $0xC1, v0;
	v15 =	vadd.s32 $0xC2, v0;
	s9 =	sshrl.u32 s4, $0x3;
	s4 =	simm.s32 $0x1;
	s10 =	sadd.s32 s11, s15  }
0x11: {  	v16 =	vadd.s32 $0xC3, v0;
	v17 =	vadd.s32 $0xC4, v0;
	v18 =	vadd.s32 $0xC5, v0;
	s13 =	sadd.s32 $0xC200, s13;
	s12 =	sadd.s32 s9, s7;
	s7 =	sadd.s32 s8, s15  }
0x12: {  	v19 =	vadd.s32 $0x120, v0;
	v20 =	vadd.s32 $0x121, v0;
	v21 =	vadd.s32 $0x122, v0;
	s8 =	sadd.s32 s8, s16;
	s9 =	sadd.s32 s11, s31;
	s11 =	sadd.s32 s11, s16  }
0x13: {  	v22 =	vadd.s32 $0x123, v0;
	v23 =	vadd.s32 $0x124, v0;
	v24 =	vadd.s32 $0x125, v0;
	s15 =	simm.s32 $0x800;
	s16 =	simm.s32 $0x1000;
	s12 =	sadd.s32 $0xB600, s12  }
.LBB2_1:
0x14: {  	[tilespmem:s3], [sflag:$0x1] =	stream.linear.gather [hbm4b:s6+s3], $0x800, $0x38;
	[tilespmem:$0x3780] =	vst v63  }
0x15: {  	_ =	swait.ge [sflag:s4], $0x800  }
0x16: {  	[sflag:s4] =	ssyncset.done $0x0  }
0x17: {  	[sflag:s4] =	ssyncadd.s32 $0xFFFFF800  }
0x18: {  	[tilespmem:s15], [sflag:$0x1] =	stream.linear.gather [hbm4b:s7+s3], $0x800, $0x38;
	[tilespmem:$0x3780] =	vst v63  }
0x19: {  	_ =	swait.ge [sflag:s4], $0x800  }
0x1a: {  	[sflag:s4] =	ssyncset.done $0x0  }
0x1b: {  	[sflag:s4] =	ssyncadd.s32 $0xFFFFF800  }
0x1c: {  	[tilespmem:s16], [sflag:$0x1] =	stream.linear.gather [hbm4b:s8+s3], $0x800, $0x38;
	[tilespmem:$0x3780] =	vst v63  }
0x1d: {  	_ =	swait.ge [sflag:s4], $0x800  }
0x1e: {  	[sflag:s4] =	ssyncset.done $0x0  }
0x1f: {  	[sflag:s4] =	ssyncadd.s32 $0xFFFFF800  }
0x20: {  	[tilespmem:s17], [sflag:$0x1] =	stream.linear.gather [hbm4b:s9+s3], $0x800, $0x38;
	[tilespmem:$0x3780] =	vst v63  }
0x21: {  	_ =	swait.ge [sflag:s4], $0x800  }
0x22: {  	[sflag:s4] =	ssyncset.done $0x0  }
0x23: {  	[sflag:s4] =	ssyncadd.s32 $0xFFFFF800  }
0x24: {  	[tilespmem:s18], [sflag:$0x1] =	stream.linear.gather [hbm4b:s10+s3], $0x800, $0x38;
	[tilespmem:$0x3780] =	vst v63  }
0x25: {  	_ =	swait.ge [sflag:s4], $0x800  }
0x26: {  	[sflag:s4] =	ssyncset.done $0x0  }
0x27: {  	[sflag:s4] =	ssyncadd.s32 $0xFFFFF800  }
0x28: {  	[tilespmem:s19], [sflag:$0x1] =	stream.linear.gather [hbm4b:s11+s3], $0x800, $0x38;
	[tilespmem:$0x3780] =	vst v63  }
0x29: {  	_ =	swait.ge [sflag:s4], $0x800  }
0x2a: {  	[sflag:s4] =	ssyncset.done $0x0  }
0x2b: {  	[sflag:s4] =	ssyncadd.s32 $0xFFFFF800  }
0x2c: {  	[tilespmem:s20], [sflag:$0x1] =	stream.linear.gather [hbm4b:s12+s3], $0x300, $0x38;
	[tilespmem:$0x3780] =	vst v63  }
0x2d: {  	_ =	swait.ge [sflag:s4], $0x300  }
0x2e: {  	[sflag:s4] =	ssyncset.done $0x0  }
0x2f: {  	[sflag:s4] =	ssyncadd.s32 $0xFFFFFD00  }
0x30: {  	[tilespmem:s21], [sflag:$0x1] =	stream.linear.gather [hbm4b:s13+s3], $0x100, $0x38;
	[tilespmem:$0x3780] =	vst v63  }
0x31: {  	_ =	swait.ge [sflag:s4], $0x100  }
0x32: {  	[sflag:s4] =	ssyncset.done $0x0  }
0x33: {  	s24 =	simm.s32 $0x0;
	[sflag:s4] =	ssyncadd.s32 $0xFFFFFF00  }
.LBB2_2:
0x34: {  	v26 =	vmov s24;
	_ =	sdelay $0x2  }
0x35: {  	s25 =	smul.u32 $0x3, s24;
	_ =	sdelay $0x1  }
0x36: {  	v27 =	vmov s25;
	v29 =	vld.idx.msk [tilespmem:v26+s21+$0x0], $0xffff  }
0x37: {  	v28 =	vadd.s32 $0x1, v27  }
0x38: {  	v30 =	vadd.s32 $0x2, v27;
	_ =	sdelay $0x2  }
0x39: {  	v26 =	vld.idx.msk [tilespmem:v27+s20+$0x0], $0xffff  }
0x3a: {  	v27 =	vld.idx.msk [tilespmem:v28+s20+$0x0], $0xffff  }
0x3b: {  	v28 =	vld.idx.msk [tilespmem:v30+s20+$0x0], $0xffff  }
0x3c: {  	v30 =	vld.idx.msk [tilespmem:v29+s17+$0x0], $0xffff  }
0x3d: {  	v31 =	vld.idx.msk [tilespmem:v29+s18+$0x0], $0xffff  }
0x3e: {  	v29 =	vld.idx.msk [tilespmem:v29+s19+$0x0], $0xffff;
	[tilespmem:v0+s22+$0x0] =	vst.idx.msk $0xffff, v1  }
0x3f: {  	[tilespmem:v2+s22+$0x0] =	vst.idx.msk $0xffff, v1  }
0x40: {  	[tilespmem:v3+s22+$0x0] =	vst.idx.msk $0xffff, v1  }
0x41: {  	[tilespmem:v4+s22+$0x0] =	vst.idx.msk $0xffff, v30  }
0x42: {  	[tilespmem:v5+s22+$0x0] =	vst.idx.msk $0xffff, v31  }
0x43: {  	[tilespmem:v6+s22+$0x0] =	vst.idx.msk $0xffff, v29  }
0x44: {  	[tilespmem:v7+s22+$0x0] =	vst.idx.msk $0xffff, v1  }
0x45: {  	[tilespmem:v8+s22+$0x0] =	vst.idx.msk $0xffff, v1  }
0x46: {  	[tilespmem:v9+s22+$0x0] =	vst.idx.msk $0xffff, v1  }
0x47: {  	[tilespmem:v10+s22+$0x0] =	vst.idx.msk $0xffff, v30  }
0x48: {  	[tilespmem:v11+s22+$0x0] =	vst.idx.msk $0xffff, v31  }
0x49: {  	[tilespmem:v12+s22+$0x0] =	vst.idx.msk $0xffff, v29  }
0x4a: {  	[tilespmem:v13+s22+$0x0] =	vst.idx.msk $0xffff, v1  }
0x4b: {  	[tilespmem:v14+s22+$0x0] =	vst.idx.msk $0xffff, v1  }
0x4c: {  	[tilespmem:v15+s22+$0x0] =	vst.idx.msk $0xffff, v1  }
0x4d: {  	[tilespmem:v16+s22+$0x0] =	vst.idx.msk $0xffff, v30  }
0x4e: {  	[tilespmem:v17+s22+$0x0] =	vst.idx.msk $0xffff, v31  }
0x4f: {  	[tilespmem:v18+s22+$0x0] =	vst.idx.msk $0xffff, v29  }
0x50: {  	[tilespmem:v19+s22+$0x0] =	vst.idx.msk $0xffff, v1  }
0x51: {  	[tilespmem:v20+s22+$0x0] =	vst.idx.msk $0xffff, v1  }
0x52: {  	[tilespmem:v21+s22+$0x0] =	vst.idx.msk $0xffff, v1  }
0x53: {  	[tilespmem:v22+s22+$0x0] =	vst.idx.msk $0xffff, v30  }
0x54: {  	[tilespmem:v23+s22+$0x0] =	vst.idx.msk $0xffff, v31  }
0x55: {  	[tilespmem:v24+s22+$0x0] =	vst.idx.msk $0xffff, v29;
	v29 =	vimm.s32 $0x0  }
0x56: {  	s26 =	simm.s32 $0x0;
	[tilespmem:$0x3700] =	vst v29  }
0x57: {  	v30 =	vld [tilespmem:s26+$0x0]  }
0x58: {  	v31 =	vld [tilespmem:s26+$0x800];
	_ =	sdelay $0x1  }
0x59: {  	v32 =	vld [tilespmem:s26+$0x1000];
	_ =	sdelay $0x2  }
0x5a: {  	v30 =	vsub.f32 v30, v26;
	v31 =	vsub.f32 v31, v27;
	_ =	sdelay $0x1  }
0x5b: {  	v32 =	vsub.f32 v32, v28;
	v33 =	vmul.f32 v30, v30;
	v34 =	vmul.f32 v31, v31;
	_ =	sdelay $0x1  }
0x5c: {  	v35 =	vmul.f32 v32, v32;
	v33 =	vadd.f32 v34, v33;
	_ =	sdelay $0x1  }
0x5d: {  	v33 =	vadd.f32 v35, v33;
	_ =	sdelay $0x1  }
0x5e: {  	vm0 =	vle.f32 v33, $3.999999910e-02  }
0x5f: {  	v33 =	vsel vm0, $0x1, v25  }
0x60: {  	(xrf0) =	vadd.scan.msk.s32 $0xffff, v33;
	_ =	sdelay $0x5  }
0x61: {  	v33, _, _ =	vpop (xrf0)  }
0x62: {  	v33 =	vadd.s32 v33, v29  }
0x63: {  	v33 =	vadd.s32 $0xFFFFFFFF, v33  }
0x64: {  	vm1 =	vlt.s32 v33, $0x40  }
0x65: {  	v33 =	vnsel vm1, $0x40, v33  }
0x66: {  	v33 =	vmul.u32 $0x6, v33;
	_ =	sdelay $0x1  }
0x67: {  	v33 =	vnsel vm0, $0x180, v33  }
0x68: {  	v61 =	vor.u32 $0x1, v33  }
0x69: {  	v62 =	vadd.s32 $0x2, v33;
	_ =	sdelay $0x2  }
0x6a: {  	[tilespmem:v33+s22+$0x0] =	vst.idx.msk $0xffff, v30  }
0x6b: {  	[tilespmem:v61+s22+$0x0] =	vst.idx.msk $0xffff, v31  }
0x6c: {  	[tilespmem:v62+s22+$0x0] =	vst.idx.msk $0xffff, v32  }
0x6d: {  	v30 =	vadd.s32 $0x3, v33;
	v31 =	vld [tilespmem:s26+$0x1800];
	_ =	sdelay $0x4  }
0x6e: {  	[tilespmem:v30+s22+$0x0] =	vst.idx.msk $0xffff, v31  }
0x6f: {  	v30 =	vadd.s32 $0x4, v33;
	v31 =	vld [tilespmem:s26+$0x2000];
	_ =	sdelay $0x4  }
0x70: {  	[tilespmem:v30+s22+$0x0] =	vst.idx.msk $0xffff, v31  }
0x71: {  	v30 =	vadd.s32 $0x5, v33;
	v31 =	vld [tilespmem:s26+$0x2800];
	_ =	sdelay $0x1  }
0x72: {  	v63 =	vmpcnt.ones.xlane vm0;
	_ =	sdelay $0x1  }
0x73: {  	s25 =	simm.s32 $0x40;
	v29 =	vadd.s32 v29, v63  }
.LBB2_3:
0x74: {  	p0 =	sne.s32 s25, $0x1FC0;
	[tilespmem:v30+s22+$0x0] =	vst.idx.msk $0xffff, v31;
	s26 =	smov.u32 s25;
	s25 =	sadd.s32 $0x40, s25  }
0x75: {  	s26 =	sshra.s32 s26, $0x2;
	[tilespmem:$0x3700] =	vst v29  }
0x76: {  	v30 =	vld [tilespmem:s26+$0x0]  }
0x77: {  	v31 =	vld [tilespmem:s26+$0x800]  }
0x78: {  	v32 =	vld [tilespmem:s26+$0x1000];
	_ =	sdelay $0x2  }
0x79: {  	v30 =	vsub.f32 v30, v26  }
0x7a: {  	v31 =	vsub.f32 v31, v27  }
0x7b: {  	v32 =	vsub.f32 v32, v28;
	v33 =	vmul.f32 v30, v30  }
0x7c: {  	v34 =	vmul.f32 v31, v31  }
0x7d: {  	v35 =	vmul.f32 v32, v32  }
0x7e: {  	v33 =	vadd.f32 v34, v33;
	_ =	sdelay $0x1  }
0x7f: {  	v33 =	vadd.f32 v35, v33;
	_ =	sdelay $0x1  }
0x80: {  	vm0 =	vle.f32 v33, $3.999999910e-02  }
0x81: {  	v33 =	vsel vm0, $0x1, v25;
	v34 =	vmpcnt.ones.xlane vm0  }
0x82: {  	(xrf0) =	vadd.scan.msk.s32 $0xffff, v33;
	_ =	sdelay $0x5  }
0x83: {  	v33, _, _ =	vpop (xrf0)  }
0x84: {  	v33 =	vadd.s32 v33, v29  }
0x85: {  	v33 =	vadd.s32 $0xFFFFFFFF, v33  }
0x86: {  	vm1 =	vlt.s32 v33, $0x40  }
0x87: {  	v33 =	vnsel vm1, $0x40, v33  }
0x88: {  	v33 =	vmul.u32 $0x6, v33;
	_ =	sdelay $0x1  }
0x89: {  	v33 =	vnsel vm0, $0x180, v33  }
0x8a: {  	v35 =	vor.u32 $0x1, v33;
	v36 =	vadd.s32 $0x2, v33;
	_ =	sdelay $0x3  }
0x8b: {  	[tilespmem:v33+s22+$0x0] =	vst.idx.msk $0xffff, v30  }
0x8c: {  	[tilespmem:v35+s22+$0x0] =	vst.idx.msk $0xffff, v31  }
0x8d: {  	v30 =	vadd.s32 $0x3, v33;
	[tilespmem:v36+s22+$0x0] =	vst.idx.msk $0xffff, v32  }
0x8e: {  	v31 =	vld [tilespmem:s26+$0x1800];
	_ =	sdelay $0x4  }
0x8f: {  	[tilespmem:v30+s22+$0x0] =	vst.idx.msk $0xffff, v31;
	v30 =	vadd.s32 $0x4, v33  }
0x90: {  	v31 =	vld [tilespmem:s26+$0x2000];
	_ =	sdelay $0x4  }
0x91: {  	[tilespmem:v30+s22+$0x0] =	vst.idx.msk $0xffff, v31;
	v30 =	vadd.s32 $0x5, v33  }
.Ltmp0:
0x92: {  	v31 =	vld [tilespmem:s26+$0x2800];
	(pc) =	sbr.rel @p0 .LBB2_3-.Ltmp0, $2  }
0x93: {  	_ =	sdelay $0x2  }
0x94: {  	v29 =	vadd.s32 v29, v34  }
0x95: {  	_ = 	snop  }
0x96: {  	s25 =	sadd.s32 s2, s24  }
0x97: {  	s25 =	smul.u32 $0x180, s25  }
0x98: {  	s24 =	sadd.s32 $0x1, s24  }
0x99: {  	[tilespmem:v30+s22+$0x0] =	vst.idx.msk $0xffff, v31;
	p0 =	sne.s32 s24, $0x100;
	s25 =	sshrl.u32 s25, $0x3  }
.Ltmp1:
0x9a: {  	[tilespmem:$0x3700] =	vst v29;
	s25 =	sadd.s32 s5, s25;
	(pc) =	sbr.rel @p0 .LBB2_2-.Ltmp1, $4  }
0x9b: {  	[hbm4b:s25+s3] =	stream.linear.scatter [tilespmem:s22], [sflag:$0x1], $0x180, $0x38;
	[tilespmem:$0x3780] =	vst v63  }
0x9c: {  	_ =	swait.ge [sflag:s4], $0x180  }
0x9d: {  	[sflag:s4] =	ssyncset.done $0x0  }
0x9e: {  	[sflag:s4] =	ssyncadd.s32 $0xFFFFFE80  }
0x9f: {  	s23 =	sadd.s32 $0x1, s23  }
0xa0: {  	p0 =	sne.s32 s23, s14  }
.Ltmp2:
0xa1: {  	_ = 	snop;
	(pc) =	sbr.rel @p0 .LBB2_1-.Ltmp2, $1  }
0xa2: {  	_ =	sdelay $0x3  }
0xa3: {  	_ =	sfence.sel $0x180000  }
0xa4: {  	[bflag:$0x0] =	sbarrier.arrive $0xFFFF  }
0xa5: {  	p0 =	sne.s32 s0, $0x0;
	_ =	strace $0x90000047  }
0xa6: {  	s0 =	sadd.s32 @!p0 $0x100000, s1;
	[bflag:$0x2] =	sbarrier.arrive $0xFFFF  }
0xa7: {  	[sflag:s0] =	ssyncadd.tile.s32 @!p0 $0x1;
	_ =	shalt  }
.Lfunc_end2:
_tile_overlayer_lowered:
.L_overlay_start_2:
0xa8: {  	(tag) =	ssettag $0x2  }
0xa9: {  	s0 =	rddreg [dreg:$0x0];
	s2 =	stileid.u32  }
0xaa: {  	s1 =	rddreg [dreg:$0x1];
	p0 =	sne.s32 s2, $0x0  }
0xab: {  	s3 =	rddreg [dreg:$0x2];
	[bflag:$0x3] =	sbarrier.arrive $0xFFFF;
	s2 =	simm.s32 @!p0 $0x1C01  }
0xac: {  	[timem:s3], [sflag:s2] =	dma.local @!p0 [hbm:s0], s1  }
0xad: {  	s0 =	simm.s32 @!p0 $0x1  }
0xae: {  	_ =	swait.ge @!p0 [sflag:s0], s1  }
0xaf: {  	s1 =	ssub.s32 @!p0 $0x0, s1;
	[sflag:s0] =	ssyncset.done @!p0 $0x0  }
0xb0: {  	[sflag:s0] =	ssyncadd.s32 @!p0 s1  }
0xb1: {  	[bflag:$0x3] =	sbarrier.arrive $0xFFFF  }
0xb2: {  	_ =	shalt  }

</sc_bundles>
